<compile_context>
chip_gen: v7x
topology: tpu7x:2x2x1
jax: 0.10.2.dev20260603
libtpu: 0.0.44.dev20260713+nightly
codegen_flags: <defaults>
</compile_context>

<pallas_src>
import functools

import jax
import jax.numpy as jnp
from jax import lax
from jax.experimental import pallas as pl
from jax.experimental.pallas import tpu as pltpu
from jax.experimental.pallas import tpu_sc as plsc

N_NODES = 10000
N_EDGES = 320000
D = 128

NC = 2
NS = 16
NW = NC * NS
CH = 128
K = 80
DCH = 128
DK = 80
E_PAD = NW * K * CH
N_DUMP = 1000
N_PAD = N_NODES + N_DUMP

ROWS_PER_SUB = (N_PAD // NS) // 8 * 8
TAIL_ROWS = N_PAD - NS * ROWS_PER_SUB

_mesh = plsc.VectorSubcoreMesh(core_axis_name="c", subcore_axis_name="s")


@functools.partial(
    pl.kernel,
    out_type=jax.ShapeDtypeStruct((NC, N_PAD, D), jnp.float32),
    mesh=_mesh,
    scratch_types=[
        pltpu.VMEM((DK, DCH), jnp.int32),
        pltpu.VMEM((DCH, D), jnp.float32),
        pltpu.VMEM_SHARED((N_PAD, D), jnp.float32),
        pltpu.SemaphoreType.DMA,
    ],
)
def _deg_kernel(src_hbm, zeros_hbm, ones_hbm, out_hbm, idx_v, ones_v, deg_sh,
                sem):
    c = lax.axis_index("c")
    s = lax.axis_index("s")
    wid = s * NC + c
    base = s * ROWS_PER_SUB
    pltpu.sync_copy(zeros_hbm.at[pl.ds(base, ROWS_PER_SUB)],
                    deg_sh.at[pl.ds(base, ROWS_PER_SUB)])

    @pl.when(s == NS - 1)
    def _():
        pltpu.sync_copy(zeros_hbm.at[pl.ds(NS * ROWS_PER_SUB, TAIL_ROWS)],
                        deg_sh.at[pl.ds(NS * ROWS_PER_SUB, TAIL_ROWS)])

    pltpu.sync_copy(ones_hbm, ones_v)
    pltpu.sync_copy(src_hbm.at[wid], idx_v)
    plsc.subcore_barrier()

    @pl.loop(0, DK, step=4)
    def _(j):
        h0 = pltpu.async_copy(ones_v, deg_sh.at[idx_v.at[j]], sem, add=True)
        h1 = pltpu.async_copy(ones_v, deg_sh.at[idx_v.at[j + 1]], sem,
                              add=True)
        h2 = pltpu.async_copy(ones_v, deg_sh.at[idx_v.at[j + 2]], sem,
                              add=True)
        h3 = pltpu.async_copy(ones_v, deg_sh.at[idx_v.at[j + 3]], sem,
                              add=True)
        h0.wait()
        h1.wait()
        h2.wait()
        h3.wait()

    plsc.subcore_barrier()
    pltpu.sync_copy(deg_sh.at[pl.ds(base, ROWS_PER_SUB)],
                    out_hbm.at[c].at[pl.ds(base, ROWS_PER_SUB)])

    @pl.when(s == NS - 1)
    def _():
        pltpu.sync_copy(deg_sh.at[pl.ds(NS * ROWS_PER_SUB, TAIL_ROWS)],
                        out_hbm.at[c].at[pl.ds(NS * ROWS_PER_SUB, TAIL_ROWS)])


@functools.partial(
    pl.kernel,
    out_type=jax.ShapeDtypeStruct((NC, N_PAD, D), jnp.float32),
    mesh=_mesh,
    scratch_types=[
        pltpu.VMEM((K // 2, CH), jnp.int32),
        pltpu.VMEM((K // 2, CH), jnp.int32),
        pltpu.VMEM((CH // 2, D), jnp.float32),
        pltpu.VMEM((CH // 2, D), jnp.float32),
        pltpu.VMEM((CH // 2, D), jnp.float32),
        pltpu.VMEM((CH // 2, D), jnp.float32),
        pltpu.VMEM_SHARED((N_PAD, D), jnp.float32),
        pltpu.SemaphoreType.DMA,
        pltpu.SemaphoreType.DMA,
    ],
)
def _agg_kernel(y_hbm, src_hbm, dst_hbm, zeros_hbm, out_hbm,
                src_v, dst_v, buf0, buf1, buf2, buf3, agg_sh, sem_g, sem_s):
    c = lax.axis_index("c")
    s = lax.axis_index("s")
    wid = s * NC + c
    base = s * ROWS_PER_SUB
    pltpu.sync_copy(zeros_hbm.at[pl.ds(base, ROWS_PER_SUB)],
                    agg_sh.at[pl.ds(base, ROWS_PER_SUB)])

    @pl.when(s == NS - 1)
    def _():
        pltpu.sync_copy(zeros_hbm.at[pl.ds(NS * ROWS_PER_SUB, TAIL_ROWS)],
                        agg_sh.at[pl.ds(NS * ROWS_PER_SUB, TAIL_ROWS)])

    plsc.subcore_barrier()

    @pl.loop(0, 2)
    def _(half):
        pltpu.sync_copy(src_hbm.at[wid].at[pl.ds(half * (K // 2), K // 2)],
                        src_v)
        pltpu.sync_copy(dst_hbm.at[wid].at[pl.ds(half * (K // 2), K // 2)],
                        dst_v)

        H = CH // 2

        @pl.loop(0, K // 2, step=2)
        def _(j):
            g0 = pltpu.async_copy(y_hbm.at[src_v.at[j, pl.ds(0, H)]],
                                  buf0, sem_g)
            g1 = pltpu.async_copy(y_hbm.at[src_v.at[j, pl.ds(H, H)]],
                                  buf1, sem_g)
            g2 = pltpu.async_copy(y_hbm.at[src_v.at[j + 1, pl.ds(0, H)]],
                                  buf2, sem_g)
            g3 = pltpu.async_copy(y_hbm.at[src_v.at[j + 1, pl.ds(H, H)]],
                                  buf3, sem_g)
            g0.wait()
            s0 = pltpu.async_copy(buf0, agg_sh.at[dst_v.at[j, pl.ds(0, H)]],
                                  sem_s, add=True)
            g1.wait()
            s1 = pltpu.async_copy(buf1, agg_sh.at[dst_v.at[j, pl.ds(H, H)]],
                                  sem_s, add=True)
            g2.wait()
            s2 = pltpu.async_copy(buf2,
                                  agg_sh.at[dst_v.at[j + 1, pl.ds(0, H)]],
                                  sem_s, add=True)
            g3.wait()
            s3 = pltpu.async_copy(buf3,
                                  agg_sh.at[dst_v.at[j + 1, pl.ds(H, H)]],
                                  sem_s, add=True)
            s0.wait()
            s1.wait()
            s2.wait()
            s3.wait()

    plsc.subcore_barrier()
    pltpu.sync_copy(agg_sh.at[pl.ds(base, ROWS_PER_SUB)],
                    out_hbm.at[c].at[pl.ds(base, ROWS_PER_SUB)])

    @pl.when(s == NS - 1)
    def _():
        pltpu.sync_copy(agg_sh.at[pl.ds(NS * ROWS_PER_SUB, TAIL_ROWS)],
                        out_hbm.at[c].at[pl.ds(NS * ROWS_PER_SUB, TAIL_ROWS)])


def _scale_body(x_ref, degp_ref, y_ref):
    deg = degp_ref[0, :, 0] + degp_ref[1, :, 0]
    norm = 1.0 / jnp.maximum(deg, 1.0)
    y_ref[...] = x_ref[...] * norm[:, None]


def _dense_body(x_ref, aggp_ref, wt_ref, b_ref, o_ref):
    agg = aggp_ref[0] + aggp_ref[1]
    h = jnp.concatenate([x_ref[...], agg], axis=1)
    acc = jnp.dot(h, wt_ref[...], preferred_element_type=jnp.float32)
    o_ref[...] = jnp.maximum(acc + b_ref[...], 0.0)


_SCALE_BLK = 1000
_DENSE_BLK = 1000


def kernel(x, edge_index, W, b):
    src = edge_index[0].astype(jnp.int32)
    dst = edge_index[1].astype(jnp.int32)
    pad = N_NODES + (jnp.arange(E_PAD - N_EDGES, dtype=jnp.int32) % N_DUMP)
    src3 = jnp.concatenate([src, pad]).reshape(NW, K, CH)
    dst3 = jnp.concatenate([dst, pad]).reshape(NW, K, CH)
    srcd = src3.reshape(NW, DK, DCH)
    x_pad = jnp.pad(x, ((0, N_PAD - N_NODES), (0, 0)))
    onesd = jnp.ones((DCH, D), jnp.float32)
    zeros128 = jnp.zeros((N_PAD, D), jnp.float32)
    wt = W.T
    b2 = b.reshape(1, D)

    degp = _deg_kernel(srcd, zeros128, onesd)

    y = pl.pallas_call(
        _scale_body,
        grid=(N_PAD // _SCALE_BLK,),
        in_specs=[
            pl.BlockSpec((_SCALE_BLK, D), lambda i: (i, 0)),
            pl.BlockSpec((NC, _SCALE_BLK, D), lambda i: (0, i, 0)),
        ],
        out_specs=pl.BlockSpec((_SCALE_BLK, D), lambda i: (i, 0)),
        out_shape=jax.ShapeDtypeStruct((N_PAD, D), jnp.float32),
    )(x_pad, degp)

    aggp = _agg_kernel(y, src3, dst3, zeros128)

    out = pl.pallas_call(
        _dense_body,
        grid=(N_NODES // _DENSE_BLK,),
        in_specs=[
            pl.BlockSpec((_DENSE_BLK, D), lambda i: (i, 0)),
            pl.BlockSpec((NC, _DENSE_BLK, D), lambda i: (0, i, 0)),
            pl.BlockSpec((2 * D, D), lambda i: (0, 0)),
            pl.BlockSpec((1, D), lambda i: (0, 0)),
        ],
        out_specs=pl.BlockSpec((_DENSE_BLK, D), lambda i: (i, 0)),
        out_shape=jax.ShapeDtypeStruct((N_NODES, D), jnp.float32),
    )(x_pad, aggp, wt, b2)

    return out

# --- scband reference (transcript-rebuilt; emitter-appended) ---
"""Pipeline reference for scband-graph-sageconv-83408264888608 (READ-ONLY COPY).

The authoritative reference and input builder live on the scoring server;
editing this copy changes nothing except your own understanding.
"""

import jax, jax.numpy as jnp
import numpy as np

N_NODES = 10000
N_EDGES = 320000
D_IN = 128
D_OUT = 128


def setup_inputs(seed: int = 0) -> dict:
    key = jax.random.key(seed)
    k1, k2, k3, k4 = jax.random.split(key, 4)
    x = jax.random.normal(k1, (N_NODES, D_IN), dtype=jnp.float32)
    edge_index = jax.random.randint(k2, (2, N_EDGES), 0, N_NODES, dtype=jnp.int64)
    # nn.Linear(2*in_dim, out_dim): weight [out, 2*in], bias [out]
    bound = 1.0 / np.sqrt(2 * D_IN)
    W = jax.random.uniform(k3, (D_OUT, 2 * D_IN), minval=-bound, maxval=bound, dtype=jnp.float32)
    b = jax.random.uniform(k4, (D_OUT,), minval=-bound, maxval=bound, dtype=jnp.float32)
    return {"x": x, "edge_index": edge_index, "W": W, "b": b}


def reference(x, edge_index, W, b):
    # DGL GraphConv(norm='left', weight=False, bias=False, allow_zero_in_degree=True):
    # messages x[src] / out_deg[src], summed at dst.
    n = x.shape[0]
    src = edge_index[0]
    dst = edge_index[1]
    out_deg = jnp.zeros((n,), dtype=x.dtype).at[src].add(1.0)
    norm = 1.0 / jnp.clip(out_deg, 1.0, None)
    msg = x[src] * norm[src][:, None]
    agg = jnp.zeros_like(x).at[dst].add(msg)
    h = jnp.concatenate((x, agg), axis=1)
    out = h @ W.T + b
    out = jax.nn.relu(out)
    return out

if __name__ == "__main__":
    import jax
    _d = setup_inputs()
    print(jax.jit(kernel)(*tuple(_d.values())))

</pallas_src>

<mosaic_0001>
#map = affine_map<(d0, d1) -> (0, 0)>
#map1 = affine_map<(d0, d1) -> (0, 0, 0)>
module attributes {stable_mosaic.version = 14 : i64} {
  func.func @_agg_kernel(%arg0: i32, %arg1: i32, %arg2: memref<11000x128xf32, #tpu.memory_space<hbm>>, %arg3: memref<32x80x128xi32, #tpu.memory_space<hbm>>, %arg4: memref<32x80x128xi32, #tpu.memory_space<hbm>>, %arg5: memref<11000x128xf32, #tpu.memory_space<hbm>>, %arg6: memref<2x11000x128xf32, #tpu.memory_space<hbm>>, %arg7: memref<40x128xi32, #tpu.memory_space<vmem>>, %arg8: memref<40x128xi32, #tpu.memory_space<vmem>>, %arg9: memref<64x128xf32, #tpu.memory_space<vmem>>, %arg10: memref<64x128xf32, #tpu.memory_space<vmem>>, %arg11: memref<64x128xf32, #tpu.memory_space<vmem>>, %arg12: memref<64x128xf32, #tpu.memory_space<vmem>>, %arg13: memref<11000x128xf32, #tpu.memory_space<vmem_shared>>, %arg14: memref<!tpu.dma_semaphore, #tpu.memory_space<semaphore_mem>>, %arg15: memref<!tpu.dma_semaphore, #tpu.memory_space<semaphore_mem>>) attributes {dimension_semantics = [#tpu.dimension_semantics<core_parallel>, #tpu.dimension_semantics<subcore_parallel>], iteration_bounds = array<i64: 2, 16>, scalar_prefetch = 0 : i64, scratch_operands = 9 : i64, tpu.core_type = #tpu.core_type<sc_vector_subcore>, window_params = [{transform_indices = #map}, {transform_indices = #map1}, {transform_indices = #map1}, {transform_indices = #map}, {transform_indices = #map1}]} {
    %mul3A = arith.constant 2 : i32
    %mul3A_0 = arith.muli %arg1, %mul3A : i32
    %add3A = arith.addi %mul3A_0, %arg0 : i32
    %mul3A_1 = arith.constant 680 : i32
    %mul3A_2 = arith.muli %arg1, %mul3A_1 : i32
    "tpu.region"() ({
      %run_scoped3A = tpu.sem_alloc : memref<!tpu.dma_semaphore, #tpu.memory_space<semaphore_mem>>
      %dma_start3A = arith.constant 0 : i32
      %dma_start3A_15 = tpu.memref_slice %arg13[%mul3A_2, %dma_start3A] : memref<11000x128xf32, #tpu.memory_space<vmem_shared>> -> memref<680x128xf32, #tpu.memory_space<vmem_shared>>
      %dma_start3A_16 = arith.constant 0 : i32
      %dma_start3A_17 = tpu.memref_slice %arg5[%mul3A_2, %dma_start3A_16] : memref<11000x128xf32, #tpu.memory_space<hbm>> -> memref<680x128xf32, #tpu.memory_space<hbm>>
      tpu.enqueue_dma source(%dma_start3A_17 : memref<680x128xf32, #tpu.memory_space<hbm>>) target(%dma_start3A_15 : memref<680x128xf32, #tpu.memory_space<vmem_shared>>) target_semaphore(%run_scoped3A : memref<!tpu.dma_semaphore, #tpu.memory_space<semaphore_mem>>)
      %dma_wait3A = arith.constant 0 : i32
      %dma_wait3A_18 = tpu.memref_slice %arg13[%mul3A_2, %dma_wait3A] : memref<11000x128xf32, #tpu.memory_space<vmem_shared>> -> memref<680x128xf32, #tpu.memory_space<vmem_shared>>
      %dma_wait3A_19 = arith.constant 0 : i32
      %dma_wait3A_20 = tpu.memref_slice %arg5[%mul3A_2, %dma_wait3A_19] : memref<11000x128xf32, #tpu.memory_space<hbm>> -> memref<680x128xf32, #tpu.memory_space<hbm>>
      tpu.wait_dma2 semaphore(%run_scoped3A : memref<!tpu.dma_semaphore, #tpu.memory_space<semaphore_mem>>) src(%dma_wait3A_20 : memref<680x128xf32, #tpu.memory_space<hbm>>) dst(%dma_wait3A_18 : memref<680x128xf32, #tpu.memory_space<vmem_shared>>)
      tpu.yield
    }) : () -> ()
    %eq3A = arith.constant 15 : i32
    %eq3A_3 = arith.cmpi eq, %arg1, %eq3A : i32
    %convert_element_type3A = arith.extui %eq3A_3 : i1 to i32
    %cond3A = arith.constant 0 : i32
    %cond3A_4 = arith.cmpi ne, %convert_element_type3A, %cond3A : i32
    scf.if %cond3A_4 {
      "tpu.region"() ({
        %run_scoped3A = tpu.sem_alloc : memref<!tpu.dma_semaphore, #tpu.memory_space<semaphore_mem>>
        %dma_start3A = arith.constant 10880 : i32
        %dma_start3A_15 = arith.constant 0 : i32
        %dma_start3A_16 = tpu.memref_slice %arg13[%dma_start3A, %dma_start3A_15] : memref<11000x128xf32, #tpu.memory_space<vmem_shared>> -> memref<120x128xf32, #tpu.memory_space<vmem_shared>>
        %dma_start3A_17 = arith.constant 10880 : i32
        %dma_start3A_18 = arith.constant 0 : i32
        %dma_start3A_19 = tpu.memref_slice %arg5[%dma_start3A_17, %dma_start3A_18] : memref<11000x128xf32, #tpu.memory_space<hbm>> -> memref<120x128xf32, #tpu.memory_space<hbm>>
        tpu.enqueue_dma source(%dma_start3A_19 : memref<120x128xf32, #tpu.memory_space<hbm>>) target(%dma_start3A_16 : memref<120x128xf32, #tpu.memory_space<vmem_shared>>) target_semaphore(%run_scoped3A : memref<!tpu.dma_semaphore, #tpu.memory_space<semaphore_mem>>)
        %dma_wait3A = arith.constant 10880 : i32
        %dma_wait3A_20 = arith.constant 0 : i32
        %dma_wait3A_21 = tpu.memref_slice %arg13[%dma_wait3A, %dma_wait3A_20] : memref<11000x128xf32, #tpu.memory_space<vmem_shared>> -> memref<120x128xf32, #tpu.memory_space<vmem_shared>>
        %dma_wait3A_22 = arith.constant 10880 : i32
        %dma_wait3A_23 = arith.constant 0 : i32
        %dma_wait3A_24 = tpu.memref_slice %arg5[%dma_wait3A_22, %dma_wait3A_23] : memref<11000x128xf32, #tpu.memory_space<hbm>> -> memref<120x128xf32, #tpu.memory_space<hbm>>
        tpu.wait_dma2 semaphore(%run_scoped3A : memref<!tpu.dma_semaphore, #tpu.memory_space<semaphore_mem>>) src(%dma_wait3A_24 : memref<120x128xf32, #tpu.memory_space<hbm>>) dst(%dma_wait3A_21 : memref<120x128xf32, #tpu.memory_space<vmem_shared>>)
        tpu.yield
      }) : () -> ()
    } else {
    }
    %barrier3A = arith.constant 0 : index
    tpu.barrier barrier_id(%barrier3A)
    %scan3A = arith.constant 0 : i32
    %scan3A_5 = arith.constant 2 : i32
    %scan3A_6 = arith.addi %scan3A, %scan3A_5 : i32
    %scan3A_7 = arith.constant 1 : i32
    scf.for %scan3A_15 = %scan3A to %scan3A_6 step %scan3A_7  : i32 {
      %mul3A_16 = arith.constant 1 : i32
      %mul3A_17 = arith.muli %scan3A_15, %mul3A_16 : i32
      %add3A_18 = arith.constant 0 : i32
      %add3A_19 = arith.addi %add3A_18, %mul3A_17 : i32
      %mul3A_20 = arith.constant 40 : i32
      %mul3A_21 = arith.muli %add3A_19, %mul3A_20 : i32
      "tpu.region"() ({
        %run_scoped3A = tpu.sem_alloc : memref<!tpu.dma_semaphore, #tpu.memory_space<semaphore_mem>>
        %dma_start3A = arith.constant 0 : i32
        %dma_start3A_29 = arith.constant 0 : i32
        %dma_start3A_30 = tpu.memref_slice %arg3[%add3A, %dma_start3A, %dma_start3A_29] : memref<32x80x128xi32, #tpu.memory_space<hbm>> -> memref<1x80x128xi32, #tpu.memory_space<hbm>>
        %dma_start3A_31 = tpu.memref_squeeze %dma_start3A_30 : memref<1x80x128xi32, #tpu.memory_space<hbm>> -> memref<80x128xi32, #tpu.memory_space<hbm>>
        %dma_start3A_32 = arith.constant 0 : i32
        %dma_start3A_33 = tpu.memref_slice %dma_start3A_31[%mul3A_21, %dma_start3A_32] : memref<80x128xi32, #tpu.memory_space<hbm>> -> memref<40x128xi32, #tpu.memory_space<hbm>>
        %dma_start3A_34 = arith.constant 0 : i32
        %dma_start3A_35 = arith.constant 0 : i32
        %dma_start3A_36 = tpu.memref_slice %arg3[%add3A, %dma_start3A_34, %dma_start3A_35] : memref<32x80x128xi32, #tpu.memory_space<hbm>> -> memref<1x80x128xi32, #tpu.memory_space<hbm>>
        %dma_start3A_37 = tpu.memref_squeeze %dma_start3A_36 : memref<1x80x128xi32, #tpu.memory_space<hbm>> -> memref<80x128xi32, #tpu.memory_space<hbm>>
        %dma_start3A_38 = arith.constant 0 : i32
        %dma_start3A_39 = tpu.memref_slice %dma_start3A_37[%mul3A_21, %dma_start3A_38] : memref<80x128xi32, #tpu.memory_space<hbm>> -> memref<40x128xi32, #tpu.memory_space<hbm>>
        tpu.enqueue_dma source(%dma_start3A_39 : memref<40x128xi32, #tpu.memory_space<hbm>>) target(%arg7 : memref<40x128xi32, #tpu.memory_space<vmem>>) target_semaphore(%run_scoped3A : memref<!tpu.dma_semaphore, #tpu.memory_space<semaphore_mem>>)
        %dma_wait3A = arith.constant 0 : i32
        %dma_wait3A_40 = arith.constant 0 : i32
        %dma_wait3A_41 = tpu.memref_slice %arg3[%add3A, %dma_wait3A, %dma_wait3A_40] : memref<32x80x128xi32, #tpu.memory_space<hbm>> -> memref<1x80x128xi32, #tpu.memory_space<hbm>>
        %dma_wait3A_42 = tpu.memref_squeeze %dma_wait3A_41 : memref<1x80x128xi32, #tpu.memory_space<hbm>> -> memref<80x128xi32, #tpu.memory_space<hbm>>
        %dma_wait3A_43 = arith.constant 0 : i32
        %dma_wait3A_44 = tpu.memref_slice %dma_wait3A_42[%mul3A_21, %dma_wait3A_43] : memref<80x128xi32, #tpu.memory_space<hbm>> -> memref<40x128xi32, #tpu.memory_space<hbm>>
        %dma_wait3A_45 = arith.constant 0 : i32
        %dma_wait3A_46 = arith.constant 0 : i32
        %dma_wait3A_47 = tpu.memref_slice %arg3[%add3A, %dma_wait3A_45, %dma_wait3A_46] : memref<32x80x128xi32, #tpu.memory_space<hbm>> -> memref<1x80x128xi32, #tpu.memory_space<hbm>>
        %dma_wait3A_48 = tpu.memref_squeeze %dma_wait3A_47 : memref<1x80x128xi32, #tpu.memory_space<hbm>> -> memref<80x128xi32, #tpu.memory_space<hbm>>
        %dma_wait3A_49 = arith.constant 0 : i32
        %dma_wait3A_50 = tpu.memref_slice %dma_wait3A_48[%mul3A_21, %dma_wait3A_49] : memref<80x128xi32, #tpu.memory_space<hbm>> -> memref<40x128xi32, #tpu.memory_space<hbm>>
        tpu.wait_dma2 semaphore(%run_scoped3A : memref<!tpu.dma_semaphore, #tpu.memory_space<semaphore_mem>>) src(%dma_wait3A_50 : memref<40x128xi32, #tpu.memory_space<hbm>>) dst(%arg7 : memref<40x128xi32, #tpu.memory_space<vmem>>)
        tpu.yield
      }) : () -> ()
      %mul3A_22 = arith.constant 40 : i32
      %mul3A_23 = arith.muli %add3A_19, %mul3A_22 : i32
      "tpu.region"() ({
        %run_scoped3A = tpu.sem_alloc : memref<!tpu.dma_semaphore, #tpu.memory_space<semaphore_mem>>
        %dma_start3A = arith.constant 0 : i32
        %dma_start3A_29 = arith.constant 0 : i32
        %dma_start3A_30 = tpu.memref_slice %arg4[%add3A, %dma_start3A, %dma_start3A_29] : memref<32x80x128xi32, #tpu.memory_space<hbm>> -> memref<1x80x128xi32, #tpu.memory_space<hbm>>
        %dma_start3A_31 = tpu.memref_squeeze %dma_start3A_30 : memref<1x80x128xi32, #tpu.memory_space<hbm>> -> memref<80x128xi32, #tpu.memory_space<hbm>>
        %dma_start3A_32 = arith.constant 0 : i32
        %dma_start3A_33 = tpu.memref_slice %dma_start3A_31[%mul3A_23, %dma_start3A_32] : memref<80x128xi32, #tpu.memory_space<hbm>> -> memref<40x128xi32, #tpu.memory_space<hbm>>
        %dma_start3A_34 = arith.constant 0 : i32
        %dma_start3A_35 = arith.constant 0 : i32
        %dma_start3A_36 = tpu.memref_slice %arg4[%add3A, %dma_start3A_34, %dma_start3A_35] : memref<32x80x128xi32, #tpu.memory_space<hbm>> -> memref<1x80x128xi32, #tpu.memory_space<hbm>>
        %dma_start3A_37 = tpu.memref_squeeze %dma_start3A_36 : memref<1x80x128xi32, #tpu.memory_space<hbm>> -> memref<80x128xi32, #tpu.memory_space<hbm>>
        %dma_start3A_38 = arith.constant 0 : i32
        %dma_start3A_39 = tpu.memref_slice %dma_start3A_37[%mul3A_23, %dma_start3A_38] : memref<80x128xi32, #tpu.memory_space<hbm>> -> memref<40x128xi32, #tpu.memory_space<hbm>>
        tpu.enqueue_dma source(%dma_start3A_39 : memref<40x128xi32, #tpu.memory_space<hbm>>) target(%arg8 : memref<40x128xi32, #tpu.memory_space<vmem>>) target_semaphore(%run_scoped3A : memref<!tpu.dma_semaphore, #tpu.memory_space<semaphore_mem>>)
        %dma_wait3A = arith.constant 0 : i32
        %dma_wait3A_40 = arith.constant 0 : i32
        %dma_wait3A_41 = tpu.memref_slice %arg4[%add3A, %dma_wait3A, %dma_wait3A_40] : memref<32x80x128xi32, #tpu.memory_space<hbm>> -> memref<1x80x128xi32, #tpu.memory_space<hbm>>
        %dma_wait3A_42 = tpu.memref_squeeze %dma_wait3A_41 : memref<1x80x128xi32, #tpu.memory_space<hbm>> -> memref<80x128xi32, #tpu.memory_space<hbm>>
        %dma_wait3A_43 = arith.constant 0 : i32
        %dma_wait3A_44 = tpu.memref_slice %dma_wait3A_42[%mul3A_23, %dma_wait3A_43] : memref<80x128xi32, #tpu.memory_space<hbm>> -> memref<40x128xi32, #tpu.memory_space<hbm>>
        %dma_wait3A_45 = arith.constant 0 : i32
        %dma_wait3A_46 = arith.constant 0 : i32
        %dma_wait3A_47 = tpu.memref_slice %arg4[%add3A, %dma_wait3A_45, %dma_wait3A_46] : memref<32x80x128xi32, #tpu.memory_space<hbm>> -> memref<1x80x128xi32, #tpu.memory_space<hbm>>
        %dma_wait3A_48 = tpu.memref_squeeze %dma_wait3A_47 : memref<1x80x128xi32, #tpu.memory_space<hbm>> -> memref<80x128xi32, #tpu.memory_space<hbm>>
        %dma_wait3A_49 = arith.constant 0 : i32
        %dma_wait3A_50 = tpu.memref_slice %dma_wait3A_48[%mul3A_23, %dma_wait3A_49] : memref<80x128xi32, #tpu.memory_space<hbm>> -> memref<40x128xi32, #tpu.memory_space<hbm>>
        tpu.wait_dma2 semaphore(%run_scoped3A : memref<!tpu.dma_semaphore, #tpu.memory_space<semaphore_mem>>) src(%dma_wait3A_50 : memref<40x128xi32, #tpu.memory_space<hbm>>) dst(%arg8 : memref<40x128xi32, #tpu.memory_space<vmem>>)
        tpu.yield
      }) : () -> ()
      %scan3A_24 = arith.constant 0 : i32
      %scan3A_25 = arith.constant 20 : i32
      %scan3A_26 = arith.addi %scan3A_24, %scan3A_25 : i32
      %scan3A_27 = arith.constant 1 : i32
      scf.for %scan3A_29 = %scan3A_24 to %scan3A_26 step %scan3A_27  : i32 {
        %mul3A_30 = arith.constant 2 : i32
        %mul3A_31 = arith.muli %scan3A_29, %mul3A_30 : i32
        %add3A_32 = arith.constant 0 : i32
        %add3A_33 = arith.addi %add3A_32, %mul3A_31 : i32
        %dma_start3A = arith.constant 0 : i32
        %dma_start3A_34 = tpu.memref_slice %arg7[%add3A_33, %dma_start3A] : memref<40x128xi32, #tpu.memory_space<vmem>> -> memref<1x64xi32, #tpu.memory_space<vmem>>
        %dma_start3A_35 = tpu.memref_squeeze %dma_start3A_34 : memref<1x64xi32, #tpu.memory_space<vmem>> -> memref<64xi32, #tpu.memory_space<vmem>>
        %dma_start3A_36 = arith.constant 0 : i32
        %dma_start3A_37 = arith.constant 0 : i32
        %dma_start3A_38 = tpu.memref_slice %arg2[%dma_start3A_36, %dma_start3A_37] : memref<11000x128xf32, #tpu.memory_space<hbm>> -> memref<11000x128xf32, #tpu.memory_space<hbm>>
        tpu.enqueue_indirect_dma source(%dma_start3A_38 : memref<11000x128xf32, #tpu.memory_space<hbm>>) target(%arg9 : memref<64x128xf32, #tpu.memory_space<vmem>>) offsets(%dma_start3A_35 : memref<64xi32, #tpu.memory_space<vmem>>) semaphore(%arg14 : memref<!tpu.dma_semaphore, #tpu.memory_space<semaphore_mem>>)
        %dma_start3A_39 = arith.constant 64 : i32
        %dma_start3A_40 = tpu.memref_slice %arg7[%add3A_33, %dma_start3A_39] : memref<40x128xi32, #tpu.memory_space<vmem>> -> memref<1x64xi32, #tpu.memory_space<vmem>>
        %dma_start3A_41 = tpu.memref_squeeze %dma_start3A_40 : memref<1x64xi32, #tpu.memory_space<vmem>> -> memref<64xi32, #tpu.memory_space<vmem>>
        %dma_start3A_42 = arith.constant 0 : i32
        %dma_start3A_43 = arith.constant 0 : i32
        %dma_start3A_44 = tpu.memref_slice %arg2[%dma_start3A_42, %dma_start3A_43] : memref<11000x128xf32, #tpu.memory_space<hbm>> -> memref<11000x128xf32, #tpu.memory_space<hbm>>
        tpu.enqueue_indirect_dma source(%dma_start3A_44 : memref<11000x128xf32, #tpu.memory_space<hbm>>) target(%arg10 : memref<64x128xf32, #tpu.memory_space<vmem>>) offsets(%dma_start3A_41 : memref<64xi32, #tpu.memory_space<vmem>>) semaphore(%arg14 : memref<!tpu.dma_semaphore, #tpu.memory_space<semaphore_mem>>)
        %add3A_45 = arith.constant 1 : i32
        %add3A_46 = arith.addi %add3A_33, %add3A_45 : i32
        %dma_start3A_47 = arith.constant 0 : i32
        %dma_start3A_48 = tpu.memref_slice %arg7[%add3A_46, %dma_start3A_47] : memref<40x128xi32, #tpu.memory_space<vmem>> -> memref<1x64xi32, #tpu.memory_space<vmem>>
        %dma_start3A_49 = tpu.memref_squeeze %dma_start3A_48 : memref<1x64xi32, #tpu.memory_space<vmem>> -> memref<64xi32, #tpu.memory_space<vmem>>
        %dma_start3A_50 = arith.constant 0 : i32
        %dma_start3A_51 = arith.constant 0 : i32
        %dma_start3A_52 = tpu.memref_slice %arg2[%dma_start3A_50, %dma_start3A_51] : memref<11000x128xf32, #tpu.memory_space<hbm>> -> memref<11000x128xf32, #tpu.memory_space<hbm>>
        tpu.enqueue_indirect_dma source(%dma_start3A_52 : memref<11000x128xf32, #tpu.memory_space<hbm>>) target(%arg11 : memref<64x128xf32, #tpu.memory_space<vmem>>) offsets(%dma_start3A_49 : memref<64xi32, #tpu.memory_space<vmem>>) semaphore(%arg14 : memref<!tpu.dma_semaphore, #tpu.memory_space<semaphore_mem>>)
        %add3A_53 = arith.constant 1 : i32
        %add3A_54 = arith.addi %add3A_33, %add3A_53 : i32
        %dma_start3A_55 = arith.constant 64 : i32
        %dma_start3A_56 = tpu.memref_slice %arg7[%add3A_54, %dma_start3A_55] : memref<40x128xi32, #tpu.memory_space<vmem>> -> memref<1x64xi32, #tpu.memory_space<vmem>>
        %dma_start3A_57 = tpu.memref_squeeze %dma_start3A_56 : memref<1x64xi32, #tpu.memory_space<vmem>> -> memref<64xi32, #tpu.memory_space<vmem>>
        %dma_start3A_58 = arith.constant 0 : i32
        %dma_start3A_59 = arith.constant 0 : i32
        %dma_start3A_60 = tpu.memref_slice %arg2[%dma_start3A_58, %dma_start3A_59] : memref<11000x128xf32, #tpu.memory_space<hbm>> -> memref<11000x128xf32, #tpu.memory_space<hbm>>
        tpu.enqueue_indirect_dma source(%dma_start3A_60 : memref<11000x128xf32, #tpu.memory_space<hbm>>) target(%arg12 : memref<64x128xf32, #tpu.memory_space<vmem>>) offsets(%dma_start3A_57 : memref<64xi32, #tpu.memory_space<vmem>>) semaphore(%arg14 : memref<!tpu.dma_semaphore, #tpu.memory_space<semaphore_mem>>)
        %dma_wait3A = arith.constant 0 : i32
        %dma_wait3A_61 = tpu.memref_slice %arg7[%add3A_33, %dma_wait3A] : memref<40x128xi32, #tpu.memory_space<vmem>> -> memref<1x64xi32, #tpu.memory_space<vmem>>
        %dma_wait3A_62 = tpu.memref_squeeze %dma_wait3A_61 : memref<1x64xi32, #tpu.memory_space<vmem>> -> memref<64xi32, #tpu.memory_space<vmem>>
        %dma_wait3A_63 = arith.constant 0 : i32
        %dma_wait3A_64 = arith.constant 0 : i32
        %dma_wait3A_65 = tpu.memref_slice %arg2[%dma_wait3A_63, %dma_wait3A_64] : memref<11000x128xf32, #tpu.memory_space<hbm>> -> memref<11000x128xf32, #tpu.memory_space<hbm>>
        tpu.wait_indirect_dma semaphore(%arg14 : memref<!tpu.dma_semaphore, #tpu.memory_space<semaphore_mem>>) src(%dma_wait3A_65 : memref<11000x128xf32, #tpu.memory_space<hbm>>) dst(%arg9 : memref<64x128xf32, #tpu.memory_space<vmem>>)
        %dma_start3A_66 = arith.constant 0 : i32
        %dma_start3A_67 = tpu.memref_slice %arg8[%add3A_33, %dma_start3A_66] : memref<40x128xi32, #tpu.memory_space<vmem>> -> memref<1x64xi32, #tpu.memory_space<vmem>>
        %dma_start3A_68 = tpu.memref_squeeze %dma_start3A_67 : memref<1x64xi32, #tpu.memory_space<vmem>> -> memref<64xi32, #tpu.memory_space<vmem>>
        %dma_start3A_69 = arith.constant 0 : i32
        %dma_start3A_70 = arith.constant 0 : i32
        %dma_start3A_71 = tpu.memref_slice %arg13[%dma_start3A_69, %dma_start3A_70] : memref<11000x128xf32, #tpu.memory_space<vmem_shared>> -> memref<11000x128xf32, #tpu.memory_space<vmem_shared>>
        tpu.enqueue_indirect_dma source(%arg9 : memref<64x128xf32, #tpu.memory_space<vmem>>) target(%dma_start3A_71 : memref<11000x128xf32, #tpu.memory_space<vmem_shared>>) offsets(%dma_start3A_68 : memref<64xi32, #tpu.memory_space<vmem>>) semaphore(%arg15 : memref<!tpu.dma_semaphore, #tpu.memory_space<semaphore_mem>>) {add = true}
        %dma_wait3A_72 = arith.constant 64 : i32
        %dma_wait3A_73 = tpu.memref_slice %arg7[%add3A_33, %dma_wait3A_72] : memref<40x128xi32, #tpu.memory_space<vmem>> -> memref<1x64xi32, #tpu.memory_space<vmem>>
        %dma_wait3A_74 = tpu.memref_squeeze %dma_wait3A_73 : memref<1x64xi32, #tpu.memory_space<vmem>> -> memref<64xi32, #tpu.memory_space<vmem>>
        %dma_wait3A_75 = arith.constant 0 : i32
        %dma_wait3A_76 = arith.constant 0 : i32
        %dma_wait3A_77 = tpu.memref_slice %arg2[%dma_wait3A_75, %dma_wait3A_76] : memref<11000x128xf32, #tpu.memory_space<hbm>> -> memref<11000x128xf32, #tpu.memory_space<hbm>>
        tpu.wait_indirect_dma semaphore(%arg14 : memref<!tpu.dma_semaphore, #tpu.memory_space<semaphore_mem>>) src(%dma_wait3A_77 : memref<11000x128xf32, #tpu.memory_space<hbm>>) dst(%arg10 : memref<64x128xf32, #tpu.memory_space<vmem>>)
        %dma_start3A_78 = arith.constant 64 : i32
        %dma_start3A_79 = tpu.memref_slice %arg8[%add3A_33, %dma_start3A_78] : memref<40x128xi32, #tpu.memory_space<vmem>> -> memref<1x64xi32, #tpu.memory_space<vmem>>
        %dma_start3A_80 = tpu.memref_squeeze %dma_start3A_79 : memref<1x64xi32, #tpu.memory_space<vmem>> -> memref<64xi32, #tpu.memory_space<vmem>>
        %dma_start3A_81 = arith.constant 0 : i32
        %dma_start3A_82 = arith.constant 0 : i32
        %dma_start3A_83 = tpu.memref_slice %arg13[%dma_start3A_81, %dma_start3A_82] : memref<11000x128xf32, #tpu.memory_space<vmem_shared>> -> memref<11000x128xf32, #tpu.memory_space<vmem_shared>>
        tpu.enqueue_indirect_dma source(%arg10 : memref<64x128xf32, #tpu.memory_space<vmem>>) target(%dma_start3A_83 : memref<11000x128xf32, #tpu.memory_space<vmem_shared>>) offsets(%dma_start3A_80 : memref<64xi32, #tpu.memory_space<vmem>>) semaphore(%arg15 : memref<!tpu.dma_semaphore, #tpu.memory_space<semaphore_mem>>) {add = true}
        %dma_wait3A_84 = arith.constant 0 : i32
        %dma_wait3A_85 = tpu.memref_slice %arg7[%add3A_46, %dma_wait3A_84] : memref<40x128xi32, #tpu.memory_space<vmem>> -> memref<1x64xi32, #tpu.memory_space<vmem>>
        %dma_wait3A_86 = tpu.memref_squeeze %dma_wait3A_85 : memref<1x64xi32, #tpu.memory_space<vmem>> -> memref<64xi32, #tpu.memory_space<vmem>>
        %dma_wait3A_87 = arith.constant 0 : i32
        %dma_wait3A_88 = arith.constant 0 : i32
        %dma_wait3A_89 = tpu.memref_slice %arg2[%dma_wait3A_87, %dma_wait3A_88] : memref<11000x128xf32, #tpu.memory_space<hbm>> -> memref<11000x128xf32, #tpu.memory_space<hbm>>
        tpu.wait_indirect_dma semaphore(%arg14 : memref<!tpu.dma_semaphore, #tpu.memory_space<semaphore_mem>>) src(%dma_wait3A_89 : memref<11000x128xf32, #tpu.memory_space<hbm>>) dst(%arg11 : memref<64x128xf32, #tpu.memory_space<vmem>>)
        %add3A_90 = arith.constant 1 : i32
        %add3A_91 = arith.addi %add3A_33, %add3A_90 : i32
        %dma_start3A_92 = arith.constant 0 : i32
        %dma_start3A_93 = tpu.memref_slice %arg8[%add3A_91, %dma_start3A_92] : memref<40x128xi32, #tpu.memory_space<vmem>> -> memref<1x64xi32, #tpu.memory_space<vmem>>
        %dma_start3A_94 = tpu.memref_squeeze %dma_start3A_93 : memref<1x64xi32, #tpu.memory_space<vmem>> -> memref<64xi32, #tpu.memory_space<vmem>>
        %dma_start3A_95 = arith.constant 0 : i32
        %dma_start3A_96 = arith.constant 0 : i32
        %dma_start3A_97 = tpu.memref_slice %arg13[%dma_start3A_95, %dma_start3A_96] : memref<11000x128xf32, #tpu.memory_space<vmem_shared>> -> memref<11000x128xf32, #tpu.memory_space<vmem_shared>>
        tpu.enqueue_indirect_dma source(%arg11 : memref<64x128xf32, #tpu.memory_space<vmem>>) target(%dma_start3A_97 : memref<11000x128xf32, #tpu.memory_space<vmem_shared>>) offsets(%dma_start3A_94 : memref<64xi32, #tpu.memory_space<vmem>>) semaphore(%arg15 : memref<!tpu.dma_semaphore, #tpu.memory_space<semaphore_mem>>) {add = true}
        %dma_wait3A_98 = arith.constant 64 : i32
        %dma_wait3A_99 = tpu.memref_slice %arg7[%add3A_54, %dma_wait3A_98] : memref<40x128xi32, #tpu.memory_space<vmem>> -> memref<1x64xi32, #tpu.memory_space<vmem>>
        %dma_wait3A_100 = tpu.memref_squeeze %dma_wait3A_99 : memref<1x64xi32, #tpu.memory_space<vmem>> -> memref<64xi32, #tpu.memory_space<vmem>>
        %dma_wait3A_101 = arith.constant 0 : i32
        %dma_wait3A_102 = arith.constant 0 : i32
        %dma_wait3A_103 = tpu.memref_slice %arg2[%dma_wait3A_101, %dma_wait3A_102] : memref<11000x128xf32, #tpu.memory_space<hbm>> -> memref<11000x128xf32, #tpu.memory_space<hbm>>
        tpu.wait_indirect_dma semaphore(%arg14 : memref<!tpu.dma_semaphore, #tpu.memory_space<semaphore_mem>>) src(%dma_wait3A_103 : memref<11000x128xf32, #tpu.memory_space<hbm>>) dst(%arg12 : memref<64x128xf32, #tpu.memory_space<vmem>>)
        %add3A_104 = arith.constant 1 : i32
        %add3A_105 = arith.addi %add3A_33, %add3A_104 : i32
        %dma_start3A_106 = arith.constant 64 : i32
        %dma_start3A_107 = tpu.memref_slice %arg8[%add3A_105, %dma_start3A_106] : memref<40x128xi32, #tpu.memory_space<vmem>> -> memref<1x64xi32, #tpu.memory_space<vmem>>
        %dma_start3A_108 = tpu.memref_squeeze %dma_start3A_107 : memref<1x64xi32, #tpu.memory_space<vmem>> -> memref<64xi32, #tpu.memory_space<vmem>>
        %dma_start3A_109 = arith.constant 0 : i32
        %dma_start3A_110 = arith.constant 0 : i32
        %dma_start3A_111 = tpu.memref_slice %arg13[%dma_start3A_109, %dma_start3A_110] : memref<11000x128xf32, #tpu.memory_space<vmem_shared>> -> memref<11000x128xf32, #tpu.memory_space<vmem_shared>>
        tpu.enqueue_indirect_dma source(%arg12 : memref<64x128xf32, #tpu.memory_space<vmem>>) target(%dma_start3A_111 : memref<11000x128xf32, #tpu.memory_space<vmem_shared>>) offsets(%dma_start3A_108 : memref<64xi32, #tpu.memory_space<vmem>>) semaphore(%arg15 : memref<!tpu.dma_semaphore, #tpu.memory_space<semaphore_mem>>) {add = true}
        %dma_wait3A_112 = arith.constant 0 : i32
        %dma_wait3A_113 = tpu.memref_slice %arg8[%add3A_33, %dma_wait3A_112] : memref<40x128xi32, #tpu.memory_space<vmem>> -> memref<1x64xi32, #tpu.memory_space<vmem>>
        %dma_wait3A_114 = tpu.memref_squeeze %dma_wait3A_113 : memref<1x64xi32, #tpu.memory_space<vmem>> -> memref<64xi32, #tpu.memory_space<vmem>>
        %dma_wait3A_115 = arith.constant 0 : i32
        %dma_wait3A_116 = arith.constant 0 : i32
        %dma_wait3A_117 = tpu.memref_slice %arg13[%dma_wait3A_115, %dma_wait3A_116] : memref<11000x128xf32, #tpu.memory_space<vmem_shared>> -> memref<11000x128xf32, #tpu.memory_space<vmem_shared>>
        tpu.wait_indirect_dma semaphore(%arg15 : memref<!tpu.dma_semaphore, #tpu.memory_space<semaphore_mem>>) src(%arg9 : memref<64x128xf32, #tpu.memory_space<vmem>>) dst(%dma_wait3A_117 : memref<11000x128xf32, #tpu.memory_space<vmem_shared>>)
        %dma_wait3A_118 = arith.constant 64 : i32
        %dma_wait3A_119 = tpu.memref_slice %arg8[%add3A_33, %dma_wait3A_118] : memref<40x128xi32, #tpu.memory_space<vmem>> -> memref<1x64xi32, #tpu.memory_space<vmem>>
        %dma_wait3A_120 = tpu.memref_squeeze %dma_wait3A_119 : memref<1x64xi32, #tpu.memory_space<vmem>> -> memref<64xi32, #tpu.memory_space<vmem>>
        %dma_wait3A_121 = arith.constant 0 : i32
        %dma_wait3A_122 = arith.constant 0 : i32
        %dma_wait3A_123 = tpu.memref_slice %arg13[%dma_wait3A_121, %dma_wait3A_122] : memref<11000x128xf32, #tpu.memory_space<vmem_shared>> -> memref<11000x128xf32, #tpu.memory_space<vmem_shared>>
        tpu.wait_indirect_dma semaphore(%arg15 : memref<!tpu.dma_semaphore, #tpu.memory_space<semaphore_mem>>) src(%arg10 : memref<64x128xf32, #tpu.memory_space<vmem>>) dst(%dma_wait3A_123 : memref<11000x128xf32, #tpu.memory_space<vmem_shared>>)
        %dma_wait3A_124 = arith.constant 0 : i32
        %dma_wait3A_125 = tpu.memref_slice %arg8[%add3A_91, %dma_wait3A_124] : memref<40x128xi32, #tpu.memory_space<vmem>> -> memref<1x64xi32, #tpu.memory_space<vmem>>
        %dma_wait3A_126 = tpu.memref_squeeze %dma_wait3A_125 : memref<1x64xi32, #tpu.memory_space<vmem>> -> memref<64xi32, #tpu.memory_space<vmem>>
        %dma_wait3A_127 = arith.constant 0 : i32
        %dma_wait3A_128 = arith.constant 0 : i32
        %dma_wait3A_129 = tpu.memref_slice %arg13[%dma_wait3A_127, %dma_wait3A_128] : memref<11000x128xf32, #tpu.memory_space<vmem_shared>> -> memref<11000x128xf32, #tpu.memory_space<vmem_shared>>
        tpu.wait_indirect_dma semaphore(%arg15 : memref<!tpu.dma_semaphore, #tpu.memory_space<semaphore_mem>>) src(%arg11 : memref<64x128xf32, #tpu.memory_space<vmem>>) dst(%dma_wait3A_129 : memref<11000x128xf32, #tpu.memory_space<vmem_shared>>)
        %dma_wait3A_130 = arith.constant 64 : i32
        %dma_wait3A_131 = tpu.memref_slice %arg8[%add3A_105, %dma_wait3A_130] : memref<40x128xi32, #tpu.memory_space<vmem>> -> memref<1x64xi32, #tpu.memory_space<vmem>>
        %dma_wait3A_132 = tpu.memref_squeeze %dma_wait3A_131 : memref<1x64xi32, #tpu.memory_space<vmem>> -> memref<64xi32, #tpu.memory_space<vmem>>
        %dma_wait3A_133 = arith.constant 0 : i32
        %dma_wait3A_134 = arith.constant 0 : i32
        %dma_wait3A_135 = tpu.memref_slice %arg13[%dma_wait3A_133, %dma_wait3A_134] : memref<11000x128xf32, #tpu.memory_space<vmem_shared>> -> memref<11000x128xf32, #tpu.memory_space<vmem_shared>>
        tpu.wait_indirect_dma semaphore(%arg15 : memref<!tpu.dma_semaphore, #tpu.memory_space<semaphore_mem>>) src(%arg12 : memref<64x128xf32, #tpu.memory_space<vmem>>) dst(%dma_wait3A_135 : memref<11000x128xf32, #tpu.memory_space<vmem_shared>>)
      }
      %scan3A_28 = arith.constant 20 : i32
    }
    %scan3A_8 = arith.constant 2 : i32
    %barrier3A_9 = arith.constant 0 : index
    tpu.barrier barrier_id(%barrier3A_9)
    "tpu.region"() ({
      %run_scoped3A = tpu.sem_alloc : memref<!tpu.dma_semaphore, #tpu.memory_space<semaphore_mem>>
      %dma_start3A = arith.constant 0 : i32
      %dma_start3A_15 = arith.constant 0 : i32
      %dma_start3A_16 = tpu.memref_slice %arg6[%arg0, %dma_start3A, %dma_start3A_15] : memref<2x11000x128xf32, #tpu.memory_space<hbm>> -> memref<1x11000x128xf32, #tpu.memory_space<hbm>>
      %dma_start3A_17 = tpu.memref_squeeze %dma_start3A_16 : memref<1x11000x128xf32, #tpu.memory_space<hbm>> -> memref<11000x128xf32, #tpu.memory_space<hbm>>
      %dma_start3A_18 = arith.constant 0 : i32
      %dma_start3A_19 = tpu.memref_slice %dma_start3A_17[%mul3A_2, %dma_start3A_18] : memref<11000x128xf32, #tpu.memory_space<hbm>> -> memref<680x128xf32, #tpu.memory_space<hbm>>
      %dma_start3A_20 = arith.constant 0 : i32
      %dma_start3A_21 = tpu.memref_slice %arg13[%mul3A_2, %dma_start3A_20] : memref<11000x128xf32, #tpu.memory_space<vmem_shared>> -> memref<680x128xf32, #tpu.memory_space<vmem_shared>>
      tpu.enqueue_dma source(%dma_start3A_21 : memref<680x128xf32, #tpu.memory_space<vmem_shared>>) target(%dma_start3A_19 : memref<680x128xf32, #tpu.memory_space<hbm>>) target_semaphore(%run_scoped3A : memref<!tpu.dma_semaphore, #tpu.memory_space<semaphore_mem>>)
      %dma_wait3A = arith.constant 0 : i32
      %dma_wait3A_22 = arith.constant 0 : i32
      %dma_wait3A_23 = tpu.memref_slice %arg6[%arg0, %dma_wait3A, %dma_wait3A_22] : memref<2x11000x128xf32, #tpu.memory_space<hbm>> -> memref<1x11000x128xf32, #tpu.memory_space<hbm>>
      %dma_wait3A_24 = tpu.memref_squeeze %dma_wait3A_23 : memref<1x11000x128xf32, #tpu.memory_space<hbm>> -> memref<11000x128xf32, #tpu.memory_space<hbm>>
      %dma_wait3A_25 = arith.constant 0 : i32
      %dma_wait3A_26 = tpu.memref_slice %dma_wait3A_24[%mul3A_2, %dma_wait3A_25] : memref<11000x128xf32, #tpu.memory_space<hbm>> -> memref<680x128xf32, #tpu.memory_space<hbm>>
      %dma_wait3A_27 = arith.constant 0 : i32
      %dma_wait3A_28 = tpu.memref_slice %arg13[%mul3A_2, %dma_wait3A_27] : memref<11000x128xf32, #tpu.memory_space<vmem_shared>> -> memref<680x128xf32, #tpu.memory_space<vmem_shared>>
      tpu.wait_dma2 semaphore(%run_scoped3A : memref<!tpu.dma_semaphore, #tpu.memory_space<semaphore_mem>>) src(%dma_wait3A_28 : memref<680x128xf32, #tpu.memory_space<vmem_shared>>) dst(%dma_wait3A_26 : memref<680x128xf32, #tpu.memory_space<hbm>>)
      tpu.yield
    }) : () -> ()
    %eq3A_10 = arith.constant 15 : i32
    %eq3A_11 = arith.cmpi eq, %arg1, %eq3A_10 : i32
    %convert_element_type3A_12 = arith.extui %eq3A_11 : i1 to i32
    %cond3A_13 = arith.constant 0 : i32
    %cond3A_14 = arith.cmpi ne, %convert_element_type3A_12, %cond3A_13 : i32
    scf.if %cond3A_14 {
      "tpu.region"() ({
        %run_scoped3A = tpu.sem_alloc : memref<!tpu.dma_semaphore, #tpu.memory_space<semaphore_mem>>
        %dma_start3A = arith.constant 0 : i32
        %dma_start3A_15 = arith.constant 0 : i32
        %dma_start3A_16 = tpu.memref_slice %arg6[%arg0, %dma_start3A, %dma_start3A_15] : memref<2x11000x128xf32, #tpu.memory_space<hbm>> -> memref<1x11000x128xf32, #tpu.memory_space<hbm>>
        %dma_start3A_17 = tpu.memref_squeeze %dma_start3A_16 : memref<1x11000x128xf32, #tpu.memory_space<hbm>> -> memref<11000x128xf32, #tpu.memory_space<hbm>>
        %dma_start3A_18 = arith.constant 10880 : i32
        %dma_start3A_19 = arith.constant 0 : i32
        %dma_start3A_20 = tpu.memref_slice %dma_start3A_17[%dma_start3A_18, %dma_start3A_19] : memref<11000x128xf32, #tpu.memory_space<hbm>> -> memref<120x128xf32, #tpu.memory_space<hbm>>
        %dma_start3A_21 = arith.constant 10880 : i32
        %dma_start3A_22 = arith.constant 0 : i32
        %dma_start3A_23 = tpu.memref_slice %arg13[%dma_start3A_21, %dma_start3A_22] : memref<11000x128xf32, #tpu.memory_space<vmem_shared>> -> memref<120x128xf32, #tpu.memory_space<vmem_shared>>
        tpu.enqueue_dma source(%dma_start3A_23 : memref<120x128xf32, #tpu.memory_space<vmem_shared>>) target(%dma_start3A_20 : memref<120x128xf32, #tpu.memory_space<hbm>>) target_semaphore(%run_scoped3A : memref<!tpu.dma_semaphore, #tpu.memory_space<semaphore_mem>>)
        %dma_wait3A = arith.constant 0 : i32
        %dma_wait3A_24 = arith.constant 0 : i32
        %dma_wait3A_25 = tpu.memref_slice %arg6[%arg0, %dma_wait3A, %dma_wait3A_24] : memref<2x11000x128xf32, #tpu.memory_space<hbm>> -> memref<1x11000x128xf32, #tpu.memory_space<hbm>>
        %dma_wait3A_26 = tpu.memref_squeeze %dma_wait3A_25 : memref<1x11000x128xf32, #tpu.memory_space<hbm>> -> memref<11000x128xf32, #tpu.memory_space<hbm>>
        %dma_wait3A_27 = arith.constant 10880 : i32
        %dma_wait3A_28 = arith.constant 0 : i32
        %dma_wait3A_29 = tpu.memref_slice %dma_wait3A_26[%dma_wait3A_27, %dma_wait3A_28] : memref<11000x128xf32, #tpu.memory_space<hbm>> -> memref<120x128xf32, #tpu.memory_space<hbm>>
        %dma_wait3A_30 = arith.constant 10880 : i32
        %dma_wait3A_31 = arith.constant 0 : i32
        %dma_wait3A_32 = tpu.memref_slice %arg13[%dma_wait3A_30, %dma_wait3A_31] : memref<11000x128xf32, #tpu.memory_space<vmem_shared>> -> memref<120x128xf32, #tpu.memory_space<vmem_shared>>
        tpu.wait_dma2 semaphore(%run_scoped3A : memref<!tpu.dma_semaphore, #tpu.memory_space<semaphore_mem>>) src(%dma_wait3A_32 : memref<120x128xf32, #tpu.memory_space<vmem_shared>>) dst(%dma_wait3A_29 : memref<120x128xf32, #tpu.memory_space<hbm>>)
        tpu.yield
      }) : () -> ()
    } else {
    }
    return
  }
}

#map = affine_map<(d0, d1) -> (0, 0, 0)>
#map1 = affine_map<(d0, d1) -> (0, 0)>
module attributes {stable_mosaic.version = 14 : i64} {
  func.func @_deg_kernel(%arg0: i32, %arg1: i32, %arg2: memref<32x80x128xi32, #tpu.memory_space<hbm>>, %arg3: memref<11000x128xf32, #tpu.memory_space<hbm>>, %arg4: memref<128x128xf32, #tpu.memory_space<hbm>>, %arg5: memref<2x11000x128xf32, #tpu.memory_space<hbm>>, %arg6: memref<80x128xi32, #tpu.memory_space<vmem>>, %arg7: memref<128x128xf32, #tpu.memory_space<vmem>>, %arg8: memref<11000x128xf32, #tpu.memory_space<vmem_shared>>, %arg9: memref<!tpu.dma_semaphore, #tpu.memory_space<semaphore_mem>>) attributes {dimension_semantics = [#tpu.dimension_semantics<core_parallel>, #tpu.dimension_semantics<subcore_parallel>], iteration_bounds = array<i64: 2, 16>, scalar_prefetch = 0 : i64, scratch_operands = 4 : i64, tpu.core_type = #tpu.core_type<sc_vector_subcore>, window_params = [{transform_indices = #map}, {transform_indices = #map1}, {transform_indices = #map1}, {transform_indices = #map}]} {
    %mul3A = arith.constant 2 : i32
    %mul3A_0 = arith.muli %arg1, %mul3A : i32
    %add3A = arith.addi %mul3A_0, %arg0 : i32
    %mul3A_1 = arith.constant 680 : i32
    %mul3A_2 = arith.muli %arg1, %mul3A_1 : i32
    "tpu.region"() ({
      %run_scoped3A = tpu.sem_alloc : memref<!tpu.dma_semaphore, #tpu.memory_space<semaphore_mem>>
      %dma_start3A = arith.constant 0 : i32
      %dma_start3A_15 = tpu.memref_slice %arg8[%mul3A_2, %dma_start3A] : memref<11000x128xf32, #tpu.memory_space<vmem_shared>> -> memref<680x128xf32, #tpu.memory_space<vmem_shared>>
      %dma_start3A_16 = arith.constant 0 : i32
      %dma_start3A_17 = tpu.memref_slice %arg3[%mul3A_2, %dma_start3A_16] : memref<11000x128xf32, #tpu.memory_space<hbm>> -> memref<680x128xf32, #tpu.memory_space<hbm>>
      tpu.enqueue_dma source(%dma_start3A_17 : memref<680x128xf32, #tpu.memory_space<hbm>>) target(%dma_start3A_15 : memref<680x128xf32, #tpu.memory_space<vmem_shared>>) target_semaphore(%run_scoped3A : memref<!tpu.dma_semaphore, #tpu.memory_space<semaphore_mem>>)
      %dma_wait3A = arith.constant 0 : i32
      %dma_wait3A_18 = tpu.memref_slice %arg8[%mul3A_2, %dma_wait3A] : memref<11000x128xf32, #tpu.memory_space<vmem_shared>> -> memref<680x128xf32, #tpu.memory_space<vmem_shared>>
      %dma_wait3A_19 = arith.constant 0 : i32
      %dma_wait3A_20 = tpu.memref_slice %arg3[%mul3A_2, %dma_wait3A_19] : memref<11000x128xf32, #tpu.memory_space<hbm>> -> memref<680x128xf32, #tpu.memory_space<hbm>>
      tpu.wait_dma2 semaphore(%run_scoped3A : memref<!tpu.dma_semaphore, #tpu.memory_space<semaphore_mem>>) src(%dma_wait3A_20 : memref<680x128xf32, #tpu.memory_space<hbm>>) dst(%dma_wait3A_18 : memref<680x128xf32, #tpu.memory_space<vmem_shared>>)
      tpu.yield
    }) : () -> ()
    %eq3A = arith.constant 15 : i32
    %eq3A_3 = arith.cmpi eq, %arg1, %eq3A : i32
    %convert_element_type3A = arith.extui %eq3A_3 : i1 to i32
    %cond3A = arith.constant 0 : i32
    %cond3A_4 = arith.cmpi ne, %convert_element_type3A, %cond3A : i32
    scf.if %cond3A_4 {
      "tpu.region"() ({
        %run_scoped3A = tpu.sem_alloc : memref<!tpu.dma_semaphore, #tpu.memory_space<semaphore_mem>>
        %dma_start3A = arith.constant 10880 : i32
        %dma_start3A_15 = arith.constant 0 : i32
        %dma_start3A_16 = tpu.memref_slice %arg8[%dma_start3A, %dma_start3A_15] : memref<11000x128xf32, #tpu.memory_space<vmem_shared>> -> memref<120x128xf32, #tpu.memory_space<vmem_shared>>
        %dma_start3A_17 = arith.constant 10880 : i32
        %dma_start3A_18 = arith.constant 0 : i32
        %dma_start3A_19 = tpu.memref_slice %arg3[%dma_start3A_17, %dma_start3A_18] : memref<11000x128xf32, #tpu.memory_space<hbm>> -> memref<120x128xf32, #tpu.memory_space<hbm>>
        tpu.enqueue_dma source(%dma_start3A_19 : memref<120x128xf32, #tpu.memory_space<hbm>>) target(%dma_start3A_16 : memref<120x128xf32, #tpu.memory_space<vmem_shared>>) target_semaphore(%run_scoped3A : memref<!tpu.dma_semaphore, #tpu.memory_space<semaphore_mem>>)
        %dma_wait3A = arith.constant 10880 : i32
        %dma_wait3A_20 = arith.constant 0 : i32
        %dma_wait3A_21 = tpu.memref_slice %arg8[%dma_wait3A, %dma_wait3A_20] : memref<11000x128xf32, #tpu.memory_space<vmem_shared>> -> memref<120x128xf32, #tpu.memory_space<vmem_shared>>
        %dma_wait3A_22 = arith.constant 10880 : i32
        %dma_wait3A_23 = arith.constant 0 : i32
        %dma_wait3A_24 = tpu.memref_slice %arg3[%dma_wait3A_22, %dma_wait3A_23] : memref<11000x128xf32, #tpu.memory_space<hbm>> -> memref<120x128xf32, #tpu.memory_space<hbm>>
        tpu.wait_dma2 semaphore(%run_scoped3A : memref<!tpu.dma_semaphore, #tpu.memory_space<semaphore_mem>>) src(%dma_wait3A_24 : memref<120x128xf32, #tpu.memory_space<hbm>>) dst(%dma_wait3A_21 : memref<120x128xf32, #tpu.memory_space<vmem_shared>>)
        tpu.yield
      }) : () -> ()
    } else {
    }
    "tpu.region"() ({
      %run_scoped3A = tpu.sem_alloc : memref<!tpu.dma_semaphore, #tpu.memory_space<semaphore_mem>>
      tpu.enqueue_dma source(%arg4 : memref<128x128xf32, #tpu.memory_space<hbm>>) target(%arg7 : memref<128x128xf32, #tpu.memory_space<vmem>>) target_semaphore(%run_scoped3A : memref<!tpu.dma_semaphore, #tpu.memory_space<semaphore_mem>>)
      tpu.wait_dma2 semaphore(%run_scoped3A : memref<!tpu.dma_semaphore, #tpu.memory_space<semaphore_mem>>) src(%arg4 : memref<128x128xf32, #tpu.memory_space<hbm>>) dst(%arg7 : memref<128x128xf32, #tpu.memory_space<vmem>>)
      tpu.yield
    }) : () -> ()
    "tpu.region"() ({
      %run_scoped3A = tpu.sem_alloc : memref<!tpu.dma_semaphore, #tpu.memory_space<semaphore_mem>>
      %dma_start3A = arith.constant 0 : i32
      %dma_start3A_15 = arith.constant 0 : i32
      %dma_start3A_16 = tpu.memref_slice %arg2[%add3A, %dma_start3A, %dma_start3A_15] : memref<32x80x128xi32, #tpu.memory_space<hbm>> -> memref<1x80x128xi32, #tpu.memory_space<hbm>>
      %dma_start3A_17 = tpu.memref_squeeze %dma_start3A_16 : memref<1x80x128xi32, #tpu.memory_space<hbm>> -> memref<80x128xi32, #tpu.memory_space<hbm>>
      %dma_start3A_18 = arith.constant 0 : i32
      %dma_start3A_19 = arith.constant 0 : i32
      %dma_start3A_20 = tpu.memref_slice %arg2[%add3A, %dma_start3A_18, %dma_start3A_19] : memref<32x80x128xi32, #tpu.memory_space<hbm>> -> memref<1x80x128xi32, #tpu.memory_space<hbm>>
      %dma_start3A_21 = tpu.memref_squeeze %dma_start3A_20 : memref<1x80x128xi32, #tpu.memory_space<hbm>> -> memref<80x128xi32, #tpu.memory_space<hbm>>
      tpu.enqueue_dma source(%dma_start3A_21 : memref<80x128xi32, #tpu.memory_space<hbm>>) target(%arg6 : memref<80x128xi32, #tpu.memory_space<vmem>>) target_semaphore(%run_scoped3A : memref<!tpu.dma_semaphore, #tpu.memory_space<semaphore_mem>>)
      %dma_wait3A = arith.constant 0 : i32
      %dma_wait3A_22 = arith.constant 0 : i32
      %dma_wait3A_23 = tpu.memref_slice %arg2[%add3A, %dma_wait3A, %dma_wait3A_22] : memref<32x80x128xi32, #tpu.memory_space<hbm>> -> memref<1x80x128xi32, #tpu.memory_space<hbm>>
      %dma_wait3A_24 = tpu.memref_squeeze %dma_wait3A_23 : memref<1x80x128xi32, #tpu.memory_space<hbm>> -> memref<80x128xi32, #tpu.memory_space<hbm>>
      %dma_wait3A_25 = arith.constant 0 : i32
      %dma_wait3A_26 = arith.constant 0 : i32
      %dma_wait3A_27 = tpu.memref_slice %arg2[%add3A, %dma_wait3A_25, %dma_wait3A_26] : memref<32x80x128xi32, #tpu.memory_space<hbm>> -> memref<1x80x128xi32, #tpu.memory_space<hbm>>
      %dma_wait3A_28 = tpu.memref_squeeze %dma_wait3A_27 : memref<1x80x128xi32, #tpu.memory_space<hbm>> -> memref<80x128xi32, #tpu.memory_space<hbm>>
      tpu.wait_dma2 semaphore(%run_scoped3A : memref<!tpu.dma_semaphore, #tpu.memory_space<semaphore_mem>>) src(%dma_wait3A_28 : memref<80x128xi32, #tpu.memory_space<hbm>>) dst(%arg6 : memref<80x128xi32, #tpu.memory_space<vmem>>)
      tpu.yield
    }) : () -> ()
    %barrier3A = arith.constant 0 : index
    tpu.barrier barrier_id(%barrier3A)
    %scan3A = arith.constant 0 : i32
    %scan3A_5 = arith.constant 20 : i32
    %scan3A_6 = arith.addi %scan3A, %scan3A_5 : i32
    %scan3A_7 = arith.constant 1 : i32
    scf.for %scan3A_15 = %scan3A to %scan3A_6 step %scan3A_7  : i32 {
      %mul3A_16 = arith.constant 4 : i32
      %mul3A_17 = arith.muli %scan3A_15, %mul3A_16 : i32
      %add3A_18 = arith.constant 0 : i32
      %add3A_19 = arith.addi %add3A_18, %mul3A_17 : i32
      %dma_start3A = arith.constant 0 : i32
      %dma_start3A_20 = tpu.memref_slice %arg6[%add3A_19, %dma_start3A] : memref<80x128xi32, #tpu.memory_space<vmem>> -> memref<1x128xi32, #tpu.memory_space<vmem>>
      %dma_start3A_21 = tpu.memref_squeeze %dma_start3A_20 : memref<1x128xi32, #tpu.memory_space<vmem>> -> memref<128xi32, #tpu.memory_space<vmem>>
      %dma_start3A_22 = arith.constant 0 : i32
      %dma_start3A_23 = arith.constant 0 : i32
      %dma_start3A_24 = tpu.memref_slice %arg8[%dma_start3A_22, %dma_start3A_23] : memref<11000x128xf32, #tpu.memory_space<vmem_shared>> -> memref<11000x128xf32, #tpu.memory_space<vmem_shared>>
      tpu.enqueue_indirect_dma source(%arg7 : memref<128x128xf32, #tpu.memory_space<vmem>>) target(%dma_start3A_24 : memref<11000x128xf32, #tpu.memory_space<vmem_shared>>) offsets(%dma_start3A_21 : memref<128xi32, #tpu.memory_space<vmem>>) semaphore(%arg9 : memref<!tpu.dma_semaphore, #tpu.memory_space<semaphore_mem>>) {add = true}
      %add3A_25 = arith.constant 1 : i32
      %add3A_26 = arith.addi %add3A_19, %add3A_25 : i32
      %dma_start3A_27 = arith.constant 0 : i32
      %dma_start3A_28 = tpu.memref_slice %arg6[%add3A_26, %dma_start3A_27] : memref<80x128xi32, #tpu.memory_space<vmem>> -> memref<1x128xi32, #tpu.memory_space<vmem>>
      %dma_start3A_29 = tpu.memref_squeeze %dma_start3A_28 : memref<1x128xi32, #tpu.memory_space<vmem>> -> memref<128xi32, #tpu.memory_space<vmem>>
      %dma_start3A_30 = arith.constant 0 : i32
      %dma_start3A_31 = arith.constant 0 : i32
      %dma_start3A_32 = tpu.memref_slice %arg8[%dma_start3A_30, %dma_start3A_31] : memref<11000x128xf32, #tpu.memory_space<vmem_shared>> -> memref<11000x128xf32, #tpu.memory_space<vmem_shared>>
      tpu.enqueue_indirect_dma source(%arg7 : memref<128x128xf32, #tpu.memory_space<vmem>>) target(%dma_start3A_32 : memref<11000x128xf32, #tpu.memory_space<vmem_shared>>) offsets(%dma_start3A_29 : memref<128xi32, #tpu.memory_space<vmem>>) semaphore(%arg9 : memref<!tpu.dma_semaphore, #tpu.memory_space<semaphore_mem>>) {add = true}
      %add3A_33 = arith.constant 2 : i32
      %add3A_34 = arith.addi %add3A_19, %add3A_33 : i32
      %dma_start3A_35 = arith.constant 0 : i32
      %dma_start3A_36 = tpu.memref_slice %arg6[%add3A_34, %dma_start3A_35] : memref<80x128xi32, #tpu.memory_space<vmem>> -> memref<1x128xi32, #tpu.memory_space<vmem>>
      %dma_start3A_37 = tpu.memref_squeeze %dma_start3A_36 : memref<1x128xi32, #tpu.memory_space<vmem>> -> memref<128xi32, #tpu.memory_space<vmem>>
      %dma_start3A_38 = arith.constant 0 : i32
      %dma_start3A_39 = arith.constant 0 : i32
      %dma_start3A_40 = tpu.memref_slice %arg8[%dma_start3A_38, %dma_start3A_39] : memref<11000x128xf32, #tpu.memory_space<vmem_shared>> -> memref<11000x128xf32, #tpu.memory_space<vmem_shared>>
      tpu.enqueue_indirect_dma source(%arg7 : memref<128x128xf32, #tpu.memory_space<vmem>>) target(%dma_start3A_40 : memref<11000x128xf32, #tpu.memory_space<vmem_shared>>) offsets(%dma_start3A_37 : memref<128xi32, #tpu.memory_space<vmem>>) semaphore(%arg9 : memref<!tpu.dma_semaphore, #tpu.memory_space<semaphore_mem>>) {add = true}
      %add3A_41 = arith.constant 3 : i32
      %add3A_42 = arith.addi %add3A_19, %add3A_41 : i32
      %dma_start3A_43 = arith.constant 0 : i32
      %dma_start3A_44 = tpu.memref_slice %arg6[%add3A_42, %dma_start3A_43] : memref<80x128xi32, #tpu.memory_space<vmem>> -> memref<1x128xi32, #tpu.memory_space<vmem>>
      %dma_start3A_45 = tpu.memref_squeeze %dma_start3A_44 : memref<1x128xi32, #tpu.memory_space<vmem>> -> memref<128xi32, #tpu.memory_space<vmem>>
      %dma_start3A_46 = arith.constant 0 : i32
      %dma_start3A_47 = arith.constant 0 : i32
      %dma_start3A_48 = tpu.memref_slice %arg8[%dma_start3A_46, %dma_start3A_47] : memref<11000x128xf32, #tpu.memory_space<vmem_shared>> -> memref<11000x128xf32, #tpu.memory_space<vmem_shared>>
      tpu.enqueue_indirect_dma source(%arg7 : memref<128x128xf32, #tpu.memory_space<vmem>>) target(%dma_start3A_48 : memref<11000x128xf32, #tpu.memory_space<vmem_shared>>) offsets(%dma_start3A_45 : memref<128xi32, #tpu.memory_space<vmem>>) semaphore(%arg9 : memref<!tpu.dma_semaphore, #tpu.memory_space<semaphore_mem>>) {add = true}
      %dma_wait3A = arith.constant 0 : i32
      %dma_wait3A_49 = tpu.memref_slice %arg6[%add3A_19, %dma_wait3A] : memref<80x128xi32, #tpu.memory_space<vmem>> -> memref<1x128xi32, #tpu.memory_space<vmem>>
      %dma_wait3A_50 = tpu.memref_squeeze %dma_wait3A_49 : memref<1x128xi32, #tpu.memory_space<vmem>> -> memref<128xi32, #tpu.memory_space<vmem>>
      %dma_wait3A_51 = arith.constant 0 : i32
      %dma_wait3A_52 = arith.constant 0 : i32
      %dma_wait3A_53 = tpu.memref_slice %arg8[%dma_wait3A_51, %dma_wait3A_52] : memref<11000x128xf32, #tpu.memory_space<vmem_shared>> -> memref<11000x128xf32, #tpu.memory_space<vmem_shared>>
      tpu.wait_indirect_dma semaphore(%arg9 : memref<!tpu.dma_semaphore, #tpu.memory_space<semaphore_mem>>) src(%arg7 : memref<128x128xf32, #tpu.memory_space<vmem>>) dst(%dma_wait3A_53 : memref<11000x128xf32, #tpu.memory_space<vmem_shared>>)
      %dma_wait3A_54 = arith.constant 0 : i32
      %dma_wait3A_55 = tpu.memref_slice %arg6[%add3A_26, %dma_wait3A_54] : memref<80x128xi32, #tpu.memory_space<vmem>> -> memref<1x128xi32, #tpu.memory_space<vmem>>
      %dma_wait3A_56 = tpu.memref_squeeze %dma_wait3A_55 : memref<1x128xi32, #tpu.memory_space<vmem>> -> memref<128xi32, #tpu.memory_space<vmem>>
      %dma_wait3A_57 = arith.constant 0 : i32
      %dma_wait3A_58 = arith.constant 0 : i32
      %dma_wait3A_59 = tpu.memref_slice %arg8[%dma_wait3A_57, %dma_wait3A_58] : memref<11000x128xf32, #tpu.memory_space<vmem_shared>> -> memref<11000x128xf32, #tpu.memory_space<vmem_shared>>
      tpu.wait_indirect_dma semaphore(%arg9 : memref<!tpu.dma_semaphore, #tpu.memory_space<semaphore_mem>>) src(%arg7 : memref<128x128xf32, #tpu.memory_space<vmem>>) dst(%dma_wait3A_59 : memref<11000x128xf32, #tpu.memory_space<vmem_shared>>)
      %dma_wait3A_60 = arith.constant 0 : i32
      %dma_wait3A_61 = tpu.memref_slice %arg6[%add3A_34, %dma_wait3A_60] : memref<80x128xi32, #tpu.memory_space<vmem>> -> memref<1x128xi32, #tpu.memory_space<vmem>>
      %dma_wait3A_62 = tpu.memref_squeeze %dma_wait3A_61 : memref<1x128xi32, #tpu.memory_space<vmem>> -> memref<128xi32, #tpu.memory_space<vmem>>
      %dma_wait3A_63 = arith.constant 0 : i32
      %dma_wait3A_64 = arith.constant 0 : i32
      %dma_wait3A_65 = tpu.memref_slice %arg8[%dma_wait3A_63, %dma_wait3A_64] : memref<11000x128xf32, #tpu.memory_space<vmem_shared>> -> memref<11000x128xf32, #tpu.memory_space<vmem_shared>>
      tpu.wait_indirect_dma semaphore(%arg9 : memref<!tpu.dma_semaphore, #tpu.memory_space<semaphore_mem>>) src(%arg7 : memref<128x128xf32, #tpu.memory_space<vmem>>) dst(%dma_wait3A_65 : memref<11000x128xf32, #tpu.memory_space<vmem_shared>>)
      %dma_wait3A_66 = arith.constant 0 : i32
      %dma_wait3A_67 = tpu.memref_slice %arg6[%add3A_42, %dma_wait3A_66] : memref<80x128xi32, #tpu.memory_space<vmem>> -> memref<1x128xi32, #tpu.memory_space<vmem>>
      %dma_wait3A_68 = tpu.memref_squeeze %dma_wait3A_67 : memref<1x128xi32, #tpu.memory_space<vmem>> -> memref<128xi32, #tpu.memory_space<vmem>>
      %dma_wait3A_69 = arith.constant 0 : i32
      %dma_wait3A_70 = arith.constant 0 : i32
      %dma_wait3A_71 = tpu.memref_slice %arg8[%dma_wait3A_69, %dma_wait3A_70] : memref<11000x128xf32, #tpu.memory_space<vmem_shared>> -> memref<11000x128xf32, #tpu.memory_space<vmem_shared>>
      tpu.wait_indirect_dma semaphore(%arg9 : memref<!tpu.dma_semaphore, #tpu.memory_space<semaphore_mem>>) src(%arg7 : memref<128x128xf32, #tpu.memory_space<vmem>>) dst(%dma_wait3A_71 : memref<11000x128xf32, #tpu.memory_space<vmem_shared>>)
    }
    %scan3A_8 = arith.constant 20 : i32
    %barrier3A_9 = arith.constant 0 : index
    tpu.barrier barrier_id(%barrier3A_9)
    "tpu.region"() ({
      %run_scoped3A = tpu.sem_alloc : memref<!tpu.dma_semaphore, #tpu.memory_space<semaphore_mem>>
      %dma_start3A = arith.constant 0 : i32
      %dma_start3A_15 = arith.constant 0 : i32
      %dma_start3A_16 = tpu.memref_slice %arg5[%arg0, %dma_start3A, %dma_start3A_15] : memref<2x11000x128xf32, #tpu.memory_space<hbm>> -> memref<1x11000x128xf32, #tpu.memory_space<hbm>>
      %dma_start3A_17 = tpu.memref_squeeze %dma_start3A_16 : memref<1x11000x128xf32, #tpu.memory_space<hbm>> -> memref<11000x128xf32, #tpu.memory_space<hbm>>
      %dma_start3A_18 = arith.constant 0 : i32
      %dma_start3A_19 = tpu.memref_slice %dma_start3A_17[%mul3A_2, %dma_start3A_18] : memref<11000x128xf32, #tpu.memory_space<hbm>> -> memref<680x128xf32, #tpu.memory_space<hbm>>
      %dma_start3A_20 = arith.constant 0 : i32
      %dma_start3A_21 = tpu.memref_slice %arg8[%mul3A_2, %dma_start3A_20] : memref<11000x128xf32, #tpu.memory_space<vmem_shared>> -> memref<680x128xf32, #tpu.memory_space<vmem_shared>>
      tpu.enqueue_dma source(%dma_start3A_21 : memref<680x128xf32, #tpu.memory_space<vmem_shared>>) target(%dma_start3A_19 : memref<680x128xf32, #tpu.memory_space<hbm>>) target_semaphore(%run_scoped3A : memref<!tpu.dma_semaphore, #tpu.memory_space<semaphore_mem>>)
      %dma_wait3A = arith.constant 0 : i32
      %dma_wait3A_22 = arith.constant 0 : i32
      %dma_wait3A_23 = tpu.memref_slice %arg5[%arg0, %dma_wait3A, %dma_wait3A_22] : memref<2x11000x128xf32, #tpu.memory_space<hbm>> -> memref<1x11000x128xf32, #tpu.memory_space<hbm>>
      %dma_wait3A_24 = tpu.memref_squeeze %dma_wait3A_23 : memref<1x11000x128xf32, #tpu.memory_space<hbm>> -> memref<11000x128xf32, #tpu.memory_space<hbm>>
      %dma_wait3A_25 = arith.constant 0 : i32
      %dma_wait3A_26 = tpu.memref_slice %dma_wait3A_24[%mul3A_2, %dma_wait3A_25] : memref<11000x128xf32, #tpu.memory_space<hbm>> -> memref<680x128xf32, #tpu.memory_space<hbm>>
      %dma_wait3A_27 = arith.constant 0 : i32
      %dma_wait3A_28 = tpu.memref_slice %arg8[%mul3A_2, %dma_wait3A_27] : memref<11000x128xf32, #tpu.memory_space<vmem_shared>> -> memref<680x128xf32, #tpu.memory_space<vmem_shared>>
      tpu.wait_dma2 semaphore(%run_scoped3A : memref<!tpu.dma_semaphore, #tpu.memory_space<semaphore_mem>>) src(%dma_wait3A_28 : memref<680x128xf32, #tpu.memory_space<vmem_shared>>) dst(%dma_wait3A_26 : memref<680x128xf32, #tpu.memory_space<hbm>>)
      tpu.yield
    }) : () -> ()
    %eq3A_10 = arith.constant 15 : i32
    %eq3A_11 = arith.cmpi eq, %arg1, %eq3A_10 : i32
    %convert_element_type3A_12 = arith.extui %eq3A_11 : i1 to i32
    %cond3A_13 = arith.constant 0 : i32
    %cond3A_14 = arith.cmpi ne, %convert_element_type3A_12, %cond3A_13 : i32
    scf.if %cond3A_14 {
      "tpu.region"() ({
        %run_scoped3A = tpu.sem_alloc : memref<!tpu.dma_semaphore, #tpu.memory_space<semaphore_mem>>
        %dma_start3A = arith.constant 0 : i32
        %dma_start3A_15 = arith.constant 0 : i32
        %dma_start3A_16 = tpu.memref_slice %arg5[%arg0, %dma_start3A, %dma_start3A_15] : memref<2x11000x128xf32, #tpu.memory_space<hbm>> -> memref<1x11000x128xf32, #tpu.memory_space<hbm>>
        %dma_start3A_17 = tpu.memref_squeeze %dma_start3A_16 : memref<1x11000x128xf32, #tpu.memory_space<hbm>> -> memref<11000x128xf32, #tpu.memory_space<hbm>>
        %dma_start3A_18 = arith.constant 10880 : i32
        %dma_start3A_19 = arith.constant 0 : i32
        %dma_start3A_20 = tpu.memref_slice %dma_start3A_17[%dma_start3A_18, %dma_start3A_19] : memref<11000x128xf32, #tpu.memory_space<hbm>> -> memref<120x128xf32, #tpu.memory_space<hbm>>
        %dma_start3A_21 = arith.constant 10880 : i32
        %dma_start3A_22 = arith.constant 0 : i32
        %dma_start3A_23 = tpu.memref_slice %arg8[%dma_start3A_21, %dma_start3A_22] : memref<11000x128xf32, #tpu.memory_space<vmem_shared>> -> memref<120x128xf32, #tpu.memory_space<vmem_shared>>
        tpu.enqueue_dma source(%dma_start3A_23 : memref<120x128xf32, #tpu.memory_space<vmem_shared>>) target(%dma_start3A_20 : memref<120x128xf32, #tpu.memory_space<hbm>>) target_semaphore(%run_scoped3A : memref<!tpu.dma_semaphore, #tpu.memory_space<semaphore_mem>>)
        %dma_wait3A = arith.constant 0 : i32
        %dma_wait3A_24 = arith.constant 0 : i32
        %dma_wait3A_25 = tpu.memref_slice %arg5[%arg0, %dma_wait3A, %dma_wait3A_24] : memref<2x11000x128xf32, #tpu.memory_space<hbm>> -> memref<1x11000x128xf32, #tpu.memory_space<hbm>>
        %dma_wait3A_26 = tpu.memref_squeeze %dma_wait3A_25 : memref<1x11000x128xf32, #tpu.memory_space<hbm>> -> memref<11000x128xf32, #tpu.memory_space<hbm>>
        %dma_wait3A_27 = arith.constant 10880 : i32
        %dma_wait3A_28 = arith.constant 0 : i32
        %dma_wait3A_29 = tpu.memref_slice %dma_wait3A_26[%dma_wait3A_27, %dma_wait3A_28] : memref<11000x128xf32, #tpu.memory_space<hbm>> -> memref<120x128xf32, #tpu.memory_space<hbm>>
        %dma_wait3A_30 = arith.constant 10880 : i32
        %dma_wait3A_31 = arith.constant 0 : i32
        %dma_wait3A_32 = tpu.memref_slice %arg8[%dma_wait3A_30, %dma_wait3A_31] : memref<11000x128xf32, #tpu.memory_space<vmem_shared>> -> memref<120x128xf32, #tpu.memory_space<vmem_shared>>
        tpu.wait_dma2 semaphore(%run_scoped3A : memref<!tpu.dma_semaphore, #tpu.memory_space<semaphore_mem>>) src(%dma_wait3A_32 : memref<120x128xf32, #tpu.memory_space<vmem_shared>>) dst(%dma_wait3A_29 : memref<120x128xf32, #tpu.memory_space<hbm>>)
        tpu.yield
      }) : () -> ()
    } else {
    }
    return
  }
}

module attributes {stable_mosaic.version = 14 : i64} {
  func.func @_scale_body(%arg0: i32, %arg1: memref<1000x128xf32, #tpu.memory_space<vmem>>, %arg2: memref<2x1000x128xf32, #tpu.memory_space<vmem>>, %arg3: memref<1000x128xf32, #tpu.memory_space<vmem>>) attributes {dimension_semantics = [#tpu.dimension_semantics<arbitrary>], iteration_bounds = array<i64: 11>, scalar_prefetch = 0 : i64, scratch_operands = 0 : i64, tpu.core_type = #tpu.core_type<tc>, window_params = [{transform_indices = @transform_0, window_bounds = array<i64: 1000, 128>}, {transform_indices = @transform_1, window_bounds = array<i64: 2, 1000, 128>}, {transform_indices = @transform_2, window_bounds = array<i64: 1000, 128>}]} {
    %get3A = arith.constant 0 : index
    %get3A_0 = arith.constant 0 : index
    %get3A_1 = arith.constant 0 : index
    %get3A_2 = vector.load %arg2[%get3A, %get3A_0, %get3A_1] : memref<2x1000x128xf32, #tpu.memory_space<vmem>>, vector<1x1000x1xf32>
    %get3A_3 = vector.shape_cast %get3A_2 : vector<1x1000x1xf32> to vector<1000xf32>
    %get3A_4 = arith.constant 1 : index
    %get3A_5 = arith.constant 0 : index
    %get3A_6 = arith.constant 0 : index
    %get3A_7 = vector.load %arg2[%get3A_4, %get3A_5, %get3A_6] : memref<2x1000x128xf32, #tpu.memory_space<vmem>>, vector<1x1000x1xf32>
    %get3A_8 = vector.shape_cast %get3A_7 : vector<1x1000x1xf32> to vector<1000xf32>
    %add3A = arith.addf %get3A_3, %get3A_8 : vector<1000xf32>
    %max3A = arith.constant 1.000000e+00 : f32
    %max3A_9 = vector.broadcast %max3A : f32 to vector<1000xf32>
    %max3A_10 = arith.maximumf %add3A, %max3A_9 : vector<1000xf32>
    %div3A = arith.constant 1.000000e+00 : f32
    %div3A_11 = vector.broadcast %div3A : f32 to vector<1000xf32>
    %div3A_12 = arith.divf %div3A_11, %max3A_10 : vector<1000xf32>
    %get3A_13 = arith.constant 0 : index
    %get3A_14 = arith.constant 0 : index
    %get3A_15 = vector.load %arg1[%get3A_13, %get3A_14] : memref<1000x128xf32, #tpu.memory_space<vmem>>, vector<1000x128xf32>
    %broadcast_in_dim3A = vector.shape_cast %div3A_12 : vector<1000xf32> to vector<1000x1xf32>
    %mul3A = vector.broadcast %broadcast_in_dim3A : vector<1000x1xf32> to vector<1000x128xf32>
    %mul3A_16 = arith.mulf %get3A_15, %mul3A : vector<1000x128xf32>
    %swap3A = arith.constant 0 : index
    %swap3A_17 = arith.constant 0 : index
    %swap3A_18 = vector.load %arg3[%swap3A, %swap3A_17] : memref<1000x128xf32, #tpu.memory_space<vmem>>, vector<1000x128xf32>
    tpu.vector_store %arg3[%swap3A, %swap3A_17], %mul3A_16 {strides = array<i32>} : memref<1000x128xf32, #tpu.memory_space<vmem>>, vector<1000x128xf32>,
    return
  }
  func.func @transform_0(%arg0: i32) -> (i32, i32) {
    %c0_i32 = arith.constant 0 : i32
    %c0_i32_0 = arith.constant 0 : i32
    return %arg0, %c0_i32 : i32, i32
  }
  func.func @transform_1(%arg0: i32) -> (i32, i32, i32) {
    %c0_i32 = arith.constant 0 : i32
    %c0_i32_0 = arith.constant 0 : i32
    %c0_i32_1 = arith.constant 0 : i32
    return %c0_i32, %arg0, %c0_i32_0 : i32, i32, i32
  }
  func.func @transform_2(%arg0: i32) -> (i32, i32) {
    %c0_i32 = arith.constant 0 : i32
    %c0_i32_0 = arith.constant 0 : i32
    return %arg0, %c0_i32 : i32, i32
  }
}

module attributes {stable_mosaic.version = 14 : i64} {
  func.func @_dense_body(%arg0: i32, %arg1: memref<1000x128xf32, #tpu.memory_space<vmem>>, %arg2: memref<2x1000x128xf32, #tpu.memory_space<vmem>>, %arg3: memref<256x128xf32, #tpu.memory_space<vmem>>, %arg4: memref<1x128xf32, #tpu.memory_space<vmem>>, %arg5: memref<1000x128xf32, #tpu.memory_space<vmem>>) attributes {dimension_semantics = [#tpu.dimension_semantics<arbitrary>], iteration_bounds = array<i64: 10>, scalar_prefetch = 0 : i64, scratch_operands = 0 : i64, tpu.core_type = #tpu.core_type<tc>, window_params = [{transform_indices = @transform_0, window_bounds = array<i64: 1000, 128>}, {transform_indices = @transform_1, window_bounds = array<i64: 2, 1000, 128>}, {pipeline_mode = #tpu.pipeline_mode<synchronous>, transform_indices = @transform_2, window_bounds = array<i64: 256, 128>}, {pipeline_mode = #tpu.pipeline_mode<synchronous>, transform_indices = @transform_3, window_bounds = array<i64: 1, 128>}, {transform_indices = @transform_4, window_bounds = array<i64: 1000, 128>}]} {
    %get3A = arith.constant 0 : index
    %get3A_0 = arith.constant 0 : index
    %get3A_1 = arith.constant 0 : index
    %get3A_2 = vector.load %arg2[%get3A, %get3A_0, %get3A_1] : memref<2x1000x128xf32, #tpu.memory_space<vmem>>, vector<1x1000x128xf32>
    %get3A_3 = vector.shape_cast %get3A_2 : vector<1x1000x128xf32> to vector<1000x128xf32>
    %get3A_4 = arith.constant 1 : index
    %get3A_5 = arith.constant 0 : index
    %get3A_6 = arith.constant 0 : index
    %get3A_7 = vector.load %arg2[%get3A_4, %get3A_5, %get3A_6] : memref<2x1000x128xf32, #tpu.memory_space<vmem>>, vector<1x1000x128xf32>
    %get3A_8 = vector.shape_cast %get3A_7 : vector<1x1000x128xf32> to vector<1000x128xf32>
    %add3A = arith.addf %get3A_3, %get3A_8 : vector<1000x128xf32>
    %get3A_9 = arith.constant 0 : index
    %get3A_10 = arith.constant 0 : index
    %get3A_11 = vector.load %arg1[%get3A_9, %get3A_10] : memref<1000x128xf32, #tpu.memory_space<vmem>>, vector<1000x128xf32>
    %concatenate3A = tpu.concatenate %get3A_11, %add3A in 1 : vector<1000x128xf32>, vector<1000x128xf32> -> vector<1000x256xf32>
    %get3A_12 = arith.constant 0 : index
    %get3A_13 = arith.constant 0 : index
    %get3A_14 = vector.load %arg3[%get3A_12, %get3A_13] : memref<256x128xf32, #tpu.memory_space<vmem>>, vector<256x128xf32>
    %dot_general3A = arith.constant dense<0.000000e+00> : vector<1000x128xf32>
    %dot_general3A_15 = tpu.matmul %concatenate3A, %get3A_14, %dot_general3A {dimension_numbers = #tpu.dot_dimension_numbers<[1], [0], [0], [1], [0, 0, 1, 1], [], []>, transpose_lhs_hint = false} : vector<1000x256xf32>, vector<256x128xf32>, vector<1000x128xf32> -> vector<1000x128xf32>
    %get3A_16 = arith.constant 0 : index
    %get3A_17 = arith.constant 0 : index
    %get3A_18 = vector.load %arg4[%get3A_16, %get3A_17] : memref<1x128xf32, #tpu.memory_space<vmem>>, vector<1x128xf32>
    %add3A_19 = vector.broadcast %get3A_18 : vector<1x128xf32> to vector<1000x128xf32>
    %add3A_20 = arith.addf %dot_general3A_15, %add3A_19 : vector<1000x128xf32>
    %max3A = arith.constant 0.000000e+00 : f32
    %max3A_21 = vector.broadcast %max3A : f32 to vector<1000x128xf32>
    %max3A_22 = arith.maximumf %add3A_20, %max3A_21 : vector<1000x128xf32>
    %swap3A = arith.constant 0 : index
    %swap3A_23 = arith.constant 0 : index
    %swap3A_24 = vector.load %arg5[%swap3A, %swap3A_23] : memref<1000x128xf32, #tpu.memory_space<vmem>>, vector<1000x128xf32>
    tpu.vector_store %arg5[%swap3A, %swap3A_23], %max3A_22 {strides = array<i32>} : memref<1000x128xf32, #tpu.memory_space<vmem>>, vector<1000x128xf32>,
    return
  }
  func.func @transform_0(%arg0: i32) -> (i32, i32) {
    %c0_i32 = arith.constant 0 : i32
    %c0_i32_0 = arith.constant 0 : i32
    return %arg0, %c0_i32 : i32, i32
  }
  func.func @transform_1(%arg0: i32) -> (i32, i32, i32) {
    %c0_i32 = arith.constant 0 : i32
    %c0_i32_0 = arith.constant 0 : i32
    %c0_i32_1 = arith.constant 0 : i32
    return %c0_i32, %arg0, %c0_i32_0 : i32, i32, i32
  }
  func.func @transform_2(%arg0: i32) -> (i32, i32) {
    %c0_i32 = arith.constant 0 : i32
    %c0_i32_0 = arith.constant 0 : i32
    %c0_i32_1 = arith.constant 0 : i32
    return %c0_i32, %c0_i32_0 : i32, i32
  }
  func.func @transform_3(%arg0: i32) -> (i32, i32) {
    %c0_i32 = arith.constant 0 : i32
    %c0_i32_0 = arith.constant 0 : i32
    %c0_i32_1 = arith.constant 0 : i32
    return %c0_i32, %c0_i32_0 : i32, i32
  }
  func.func @transform_4(%arg0: i32) -> (i32, i32) {
    %c0_i32 = arith.constant 0 : i32
    %c0_i32_0 = arith.constant 0 : i32
    return %arg0, %c0_i32 : i32, i32
  }
}

</mosaic_0001>

<sc_bundles>
// kernel: kernel.6.cloned.1.call-start
scs
__scs_entry_jumppad:
0x0: {  	(pc) =	sbr.rel $0x88, $3  }
0x1: {  	(tag) =	ssettag $0x0;
	lr =	simm.s32 $0x1  }
0x2: {  	[smem:$0x3F9D] =	sst lr;
	_ =	strace $0xD0000000  }
0x3: {  	_ = 	snop  }
0x4: {  	_ = 	snop  }
0x5: {  	_ = 	snop  }
0x6: {  	_ = 	snop  }
0x7: {  	_ = 	snop  }
__scs_overlays_trampoline_lowered:
0x8: {  	[smem:$0x3FAC] =	sst s0  }
0x9: {  	[smem:$0x3FAD] =	sst s1  }
0xa: {  	[smem:$0x3FAE] =	sst s2  }
0xb: {  	[smem:$0x3FAF] =	sst s3  }
0xc: {  	[smem:$0x3FB0] =	sst s4  }
0xd: {  	[smem:$0x3FB1] =	sst s5  }
0xe: {  	[smem:$0x3FB2] =	sst s6  }
0xf: {  	[smem:$0x3FB3] =	sst s7  }
0x10: {  	[smem:$0x3FB4] =	sst s8  }
0x11: {  	[smem:$0x3FB5] =	sst s9;
	s0 =	simm.s32 @!p0 $0x0  }
0x12: {  	s1 =	sld [smem:$0x3F9B];
	s0 =	simm.s32 @p0 $0x1  }
0x13: {  	[smem:$0x3FB6] =	sst s0;
	s0 =	simm.s32 @!p1 $0x0  }
0x14: {  	s2 =	sld [smem:$0x3F9A];
	s0 =	simm.s32 @p1 $0x1  }
0x15: {  	[smem:$0x3FB7] =	sst s0;
	s0 =	simm.s32 @!p2 $0x0  }
0x16: {  	s3 =	sld [smem:$0x3FDB];
	s0 =	simm.s32 @p2 $0x1  }
0x17: {  	s4 =	simm.s32 $0x1BF5;
	[smem:$0x3FB9] =	sst s0  }
0x18: {  	s0 =	sld [smem:$0x3F9C];
	_ =	swait.ge [sflag:s4], $0x0  }
0x19: {  	s7 =	sld [smem:$0x3F9D]  }
0x1a: {  	s8 =	sadd.s32 $0xFFFFE003, lr  }
0x1b: {  	s9 =	sadd.s32 $0xFFFFFEF7, lr;
	s5 =	simm.s32 $0xFFFFFFFF;
	p2 =	slt.u32 s8, $0xFFFFF086  }
0x1c: {  	p1 =	slt.u32 s9, $0xF7A;
	s5 =	simm.s32 @!p2 $0x0  }
0x1d: {  	s5 =	simm.s32 @p1 $0x1;
	p0 =	seq.s32 s7, s2  }
0x1e: {  	s7 =	smul.u32 @!p0 $0xF7A, s2;
	p2 =	seq.s32 @!p0 s5, $0x0  }
0x1f: {  	s9 =	smul.u32 $0xF7A, s1;
	s8 =	simm.s32 @!p0 $0x1BF5;
	p2 =	por !p2, p0  }
0x20: {  	[sflag:s8] =	ssyncset.s32 @!p0 $0xFFFFF086;
	s6 =	sadd.s32 @!p0 s3, s7;
	s7 =	simm.s32 @!p0 $0x108  }
0x21: {  	s3 =	sadd.s32 s3, s9;
	s6 =	sadd.s32 @!p0 $0x88, s6;
	s7 =	simm.s32 @p2 $0x1082  }
0x22: {  	[simem:s7], [sflag:s8] =	dma.local @!p0 [hbm:s6], $0xF7A  }
0x23: {  	s9 =	sor.u32 $0xD0000000, s2;
	s6 =	simm.s32 $0x108;
	_ =	swait.ge @!p0 [sflag:s8], $0x0  }
0x24: {  	s3 =	sadd.s32 $0x88, s3;
	s6 =	simm.s32 @!p1 $0x1082;
	[sflag:s4] =	ssyncset.s32 $0xFFFFF086  }
0x25: {  	[simem:s6], [sflag:s4] =	dma.local [hbm:s3], $0xF7A  }
0x26: {  	[smem:$0x3F9D] =	sst s1;
	(tag) =	ssettag s2;
	_ =	strace s9  }
0x27: {  	s1 =	sld [smem:$0x3FAD]  }
0x28: {  	s2 =	sld [smem:$0x3FAE]  }
0x29: {  	s4 =	sld [smem:$0x3FB0]  }
0x2a: {  	p0 =	seq.s32 s5, $0x0;
	s5 =	sld [smem:$0x3FB1]  }
0x2b: {  	s6 =	sld [smem:$0x3FB2]  }
0x2c: {  	s7 =	sld [smem:$0x3FB3]  }
0x2d: {  	s3 =	simm.s32 $0x108;
	s8 =	sld [smem:$0x3FB4]  }
0x2e: {  	s3 =	simm.s32 @!p0 $0x1082;
	s9 =	sld [smem:$0x3FB5]  }
0x2f: {  	lr =	sadd.s32 s0, s3;
	s0 =	sld [smem:$0x3FAC]  }
0x30: {  	s3 =	sld [smem:$0x3FAF]  }
0x31: {  	[smem:$0x3FB8] =	sst s10  }
0x32: {  	s10 =	sld [smem:$0x3FB6];
	_ =	sdelay $0x3  }
0x33: {  	p0 =	seq.s32 s10, $0x1;
	s10 =	sld [smem:$0x3FB8];
	_ =	sdelay $0x3  }
0x34: {  	[smem:$0x3FB8] =	sst s10  }
0x35: {  	s10 =	sld [smem:$0x3FB7];
	_ =	sdelay $0x3  }
0x36: {  	p1 =	seq.s32 s10, $0x1;
	s10 =	sld [smem:$0x3FB8];
	_ =	sdelay $0x3  }
0x37: {  	[smem:$0x3FB8] =	sst s10  }
0x38: {  	s10 =	sld [smem:$0x3FB9]  }
0x39: {  	_ = 	snop;
	(pc) =	sbr.ind lr, $3  }
0x3a: {  	_ = 	snop  }
0x3b: {  	_ = 	snop  }
0x3c: {  	p2 =	seq.s32 s10, $0x1;
	s10 =	sld [smem:$0x3FB8]  }
0x3d: {  	_ =	shalt  }
0x3e: {  	_ =	shalt  }
0x3f: {  	_ =	shalt  }
0x40: {  	_ =	shalt  }
0x41: {  	_ =	shalt  }
0x42: {  	_ =	shalt  }
0x43: {  	_ =	shalt  }
0x44: {  	_ =	shalt  }
0x45: {  	_ =	shalt  }
0x46: {  	_ =	shalt  }
0x47: {  	_ =	shalt  }
0x48: {  	_ =	shalt  }
0x49: {  	_ =	shalt  }
0x4a: {  	_ =	shalt  }
0x4b: {  	_ =	shalt  }
0x4c: {  	_ =	shalt  }
0x4d: {  	_ =	shalt  }
0x4e: {  	_ =	shalt  }
0x4f: {  	_ =	shalt  }
0x50: {  	_ =	shalt  }
0x51: {  	_ =	shalt  }
0x52: {  	_ =	shalt  }
0x53: {  	_ =	shalt  }
0x54: {  	_ =	shalt  }
0x55: {  	_ =	shalt  }
0x56: {  	_ =	shalt  }
0x57: {  	_ =	shalt  }
0x58: {  	_ =	shalt  }
0x59: {  	_ =	shalt  }
0x5a: {  	_ =	shalt  }
0x5b: {  	_ =	shalt  }
0x5c: {  	_ =	shalt  }
0x5d: {  	_ =	shalt  }
0x5e: {  	_ =	shalt  }
0x5f: {  	_ =	shalt  }
0x60: {  	_ =	shalt  }
0x61: {  	_ =	shalt  }
0x62: {  	_ =	shalt  }
0x63: {  	_ =	shalt  }
0x64: {  	_ =	shalt  }
0x65: {  	_ =	shalt  }
0x66: {  	_ =	shalt  }
0x67: {  	_ =	shalt  }
0x68: {  	_ =	shalt  }
0x69: {  	_ =	shalt  }
0x6a: {  	_ =	shalt  }
0x6b: {  	_ =	shalt  }
0x6c: {  	_ =	shalt  }
0x6d: {  	_ =	shalt  }
0x6e: {  	_ =	shalt  }
0x6f: {  	_ =	shalt  }
0x70: {  	_ =	shalt  }
0x71: {  	_ =	shalt  }
0x72: {  	_ =	shalt  }
0x73: {  	_ =	shalt  }
0x74: {  	_ =	shalt  }
0x75: {  	_ =	shalt  }
0x76: {  	_ =	shalt  }
0x77: {  	_ =	shalt  }
0x78: {  	_ =	shalt  }
0x79: {  	_ =	shalt  }
0x7a: {  	_ =	shalt  }
0x7b: {  	_ =	shalt  }
0x7c: {  	_ =	shalt  }
0x7d: {  	_ =	shalt  }
0x7e: {  	_ =	shalt  }
0x7f: {  	_ =	shalt  }
0x80: {  	_ =	shalt  }
0x81: {  	_ =	shalt  }
0x82: {  	_ =	shalt  }
0x83: {  	_ =	shalt  }
0x84: {  	_ =	shalt  }
0x85: {  	_ =	shalt  }
0x86: {  	_ =	shalt  }
0x87: {  	_ =	shalt  }
.Lfunc_end0:
.L_simem_size_0:
called_computation_lowered:
.L_overlay_start_0:
0x88: {  	s2 =	sld [smem:$0x3FD9]  }
0x89: {  	s3 =	sld [smem:$0x3FFE];
	_ =	sdelay $0x1  }
0x8a: {  	s1 =	srdreg.scid  }
0x8b: {  	s0 =	sand.u32 $0x1, s1  }
0x8c: {  	s16 =	sshll.u32 s0, $0xA;
	s2 =	sadd.s32 s3, s2  }
0x8d: {  	s2 =	sadd.s32 s2, s16  }
0x8e: {  	[smem:$0x3FC4] =	sst s2  }
0x8f: {  	_ = 	snop  }
0x90: {  	(tm) =	ssettm $0x1  }
0x91: {  	s17 =	sld [smem:$0x3FFB];
	_ =	sdelay $0x3  }
0x92: {  	_ =	strace s17  }
0x93: {  	s2 =	sld [smem:$0x3FFC];
	_ =	sdelay $0x3  }
0x94: {  	_ =	strace s2  }
0x95: {  	s2 =	sld [smem:$0x3FFD];
	_ =	sdelay $0x3  }
0x96: {  	_ =	strace s2  }
0x97: {  	_ =	strace $0x8FFFFFFF  }
0x98: {  	s18 =	sld [smem:$0x3FDB];
	_ =	sdelay $0x1  }
0x99: {  	s19 =	simm.s32 $_scs_section_size  }
0x9a: {  	s4 =	simm.s32 $_size__tile_overlayer_lowered;
	s5 =	simm.s32 $_tile_overlayer_lowered  }
0x9b: {  	s22 =	simm.s32 $0x1BFF;
	s21 =	sshll.u32 s5, $0x1;
	s2 =	sadd.s32 s19, s18  }
0x9c: {  	s6 =	simm.s32 $0x0;
	s20 =	sshll.u32 s4, $0x1;
	s4 =	sadd.s32 s21, s2  }
0x9d: {  	[timem:s6], [sflag:s22] =	dma.local [hbm:s4], s20  }
0x9e: {  	_ =	swait.ge [sflag:s22], s20  }
0x9f: {  	s3 =	ssub.s32 $0x0, s20;
	[sflag:s22] =	ssyncset.done $0x0  }
0xa0: {  	[sflag:s22] =	ssyncadd.s32 s3;
	_ =	sdelay $0x1  }
0xa1: {  	s23 =	simm.s32 $0x1B8B  }
0xa2: {  	_ =	swait.ge [sflag:s23], $0x1  }
0xa3: {  	[sflag:s23] =	ssyncset.done $0x0  }
0xa4: {  	s25 =	simm.s32 $0x1B8E;
	s24 =	sld [smem:$0x3FFE];
	[sflag:s23] =	ssyncadd.s32 $0xFFFFFFFF  }
0xa5: {  	s26 =	simm.s32 $execute0_lowered;
	[smem:$0x3FD2] =	sst s25  }
0xa6: {  	s4 =	sshll.u32 s26, $0x1;
	_ =	strace $0x80000046;
	[dreg:$0x1] =	wrdreg $0xFFFFFFFF  }
0xa7: {  	s28 =	simm.s32 $_size_execute0_lowered;
	s2 =	sadd.s32 s2, s4;
	[dreg:$0x0] =	wrdreg $0x0  }
0xa8: {  	s4 =	sshll.u32 s28, $0x1;
	[dreg:$0x2] =	wrdreg s2  }
0xa9: {  	[dreg:$0x3] =	wrdreg s4  }
0xaa: {  	[dreg:$0x4] =	wrdreg $0xC0  }
0xab: {  	_ =	task [dreg:s6], $0x5FFFF  }
0xac: {  	[dreg:$0x1] =	wrdreg $0xFFFFFFFF  }
0xad: {  	[dreg:$0x0] =	wrdreg $0x60  }
0xae: {  	[dreg:$0x2] =	wrdreg s24  }
0xaf: {  	[dreg:$0x3] =	wrdreg $0x68000  }
0xb0: {  	[dreg:$0x4] =	wrdreg $0x9  }
0xb1: {  	_ =	task.clear_ibuf [dreg:s6], $0x5FFFF;
	_ =	strace $0x90000046  }
0xb2: {  	s29 =	simm.s32 $0x9;
	_ =	strace $0x80000048  }
0xb3: {  	_ =	swait.ge [sflag:s29], $0x1  }
0xb4: {  	[sflag:s29] =	ssyncadd.s32 $0xFFFFFFFF  }
0xb5: {  	_ =	strace $0x90000048  }
0xb6: {  	_ =	sfence  }
0xb7: {  	s30 =	sld [smem:$0x0];
	_ =	sdelay $0x2  }
0xb8: {  	s31 =	sshll.u32 s1, $0xD;
	s1 =	sshrl.u32 s1, $0x2  }
0xb9: {  	s3 =	sand.u32 $0x4000, s31;
	s1 =	sadd.s32 s1, s30  }
0xba: {  	s0 =	sor.u32 s3, s0;
	s1 =	sshll.u32 s1, $0x11  }
0xbb: {  	s0 =	sor.u32 s1, s0  }
0xbc: {  	s0 =	sadd.s32 $0x8F2B, s0  }
0xbd: {  	[sflag:s0] =	ssyncadd.remote.s32 $0x1  }
0xbe: {  	_ =	sfence.sel $0xFFFF  }
0xbf: {  	[dreg:$0x0] =	wrdreg $0xFFFFFFFF;
	(pc) =	sbr.abs _section_cstart, $3  }
0xc0: {  	[dreg:$0x1] =	wrdreg $0xFFFFFFFF  }
0xc1: {  	_ =	task.clear_ibuf [dreg:s6], $0x2FFFF;
	_ =	strace $0x9FFFFFFF  }
0xc2: {  	(tm) =	ssettm $0x7FFFFFFF  }
0xc3: {  	_ =	shalt  }
tec
execute0_lowered:
.L_overlay_start_1:
0x0: {  	(tag) =	ssettag $0x1  }
0x1: {  	s1 =	srdreg.scid  }
0x2: {  	s0 =	stileid.u32;
	s7 =	rddreg [dreg:$0x0]  }
0x3: {  	s2 =	rddreg [dreg:$0x1];
	s3 =	simm.s32 $0x0;
	s14 =	simm.s32 $0x80  }
0x4: {  	s15 =	simm.s32 $0x1;
	s18 =	simm.s32 $0x0;
	s4 =	sand.u32 $0x1, s1  }
0x5: {  	s26 =	sshll.u32 s0, $0x1;
	s1 =	rddreg [dreg:$0x2];
	s16 =	smul.u32 $0x2A80, s0  }
0x6: {  	[smem:$0x7FF] =	sst s3;
	s10 =	smul.u32 $0x55000, s0;
	s31 =	sshll.u32 s0, $0x6  }
0x7: {  	s13 =	sadd.s32 $0x154000, s2;
	p0 =	sne.s32 s0, $0xF;
	s5 =	sor.u32 s4, s26  }
0x8: {  	_ =	strace $0x80000047;
	s28 =	smul.u32 $0x2AF80, s4;
	s9 =	ssub.s32 $0x2, s4  }
0x9: {  	s4 =	sadd.s32 $0x36400, s7;
	s5 =	smul.u32 $0x500, s5;
	s6 =	sadd.s32 s16, s7  }
0xa: {  	s29 =	sshrl.u32 s9, $0x1;
	s30 =	sshrl.u32 s10, $0x2;
	s11 =	sadd.s32 s28, s7  }
0xb: {  	s9 =	ssub.s32 s9, s29;
	s12 =	sadd.s32 s30, s2;
	s8 =	sadd.s32 s5, s7  }
0xc: {  	s5 =	sadd.s32 $0xB400, s6;
	s6 =	sor.u32 $0x1C02, s31;
	s7 =	sadd.s32 $0x35C00, s7  }
0xd: {  	s17 =	sadd.s32 $0x36C00, s11;
	s9 =	smax.u32 s9, $0x1;
	s10 =	sshrl.u32 s12, $0x3  }
0xe: {  	s11 =	simm.s32 $0x2;
	s12 =	sshrl.u32 @!p0 s13, $0x3;
	s13 =	simm.s32 $0x2800  }
0xf: {  	s8 =	sadd.s32 $0x1400, s8;
	s16 =	sadd.s32 s16, s17;
	s17 =	sadd.s32 @!p0 $0x2A800, s17  }
.LBB2_1:
0x10: {  	[spmem:s10], [sflag:s6] =	dma.local [hbm:s5], $0x2A80  }
0x11: {  	_ =	swait.ge [sflag:s11], $0x2A80  }
0x12: {  	[sflag:s11] =	ssyncset.done $0x0  }
0x13: {  	s19 =	simm.s32 @!p0 $0x2;
	[sflag:s11] =	ssyncadd.s32 $0xFFFFD580  }
0x14: {  	[spmem:s12], [sflag:s6] =	dma.local @!p0 [hbm:s7], $0x780  }
0x15: {  	_ =	swait.ge @!p0 [sflag:s19], $0x780  }
0x16: {  	[sflag:s19] =	ssyncset.done @!p0 $0x0  }
0x17: {  	[sflag:s19] =	ssyncadd.s32 @!p0 $0xFFFFF880  }
0x18: {  	[tilespmem:s13], [sflag:$0x2] =	stream.linear.gather [hbm4b:s4+s3], $0x4000, $0x38;
	[tilespmem:$0x1BFC0] =	vst v63  }
0x19: {  	_ =	swait.ge [sflag:s11], $0x4000  }
0x1a: {  	[sflag:s11] =	ssyncset.done $0x0  }
0x1b: {  	[sflag:s11] =	ssyncadd.s32 $0xFFFFC000  }
0x1c: {  	[tilespmem:s3], [sflag:$0x2] =	stream.linear.gather [hbm4b:s8+s3], $0x2800, $0x38;
	[tilespmem:$0x1BFC0] =	vst v63  }
0x1d: {  	_ =	swait.ge [sflag:s11], $0x2800  }
0x1e: {  	[sflag:s11] =	ssyncset.done $0x0  }
0x1f: {  	[sflag:s11] =	ssyncadd.s32 $0xFFFFD800  }
0x20: {  	s28 =	simm.s32 $0x0;
	[bflag:$0x0] =	sbarrier.arrive $0xFFFF  }
0x21: {  	[spmem:s2] =	stream.indirect.scatter.add.f32 [tilespmem:s13], [sflag:$0x1], $0x80, s28, s14, $0xb8;
	[tilespmem:$0x1BFC0] =	vst v63  }
0x22: {  	s29 =	simm.s32 $0x80  }
0x23: {  	[spmem:s2] =	stream.indirect.scatter.add.f32 [tilespmem:s13], [sflag:$0x1], $0x80, s29, s14, $0xb8;
	[tilespmem:$0x1BFC0] =	vst v63  }
0x24: {  	s30 =	simm.s32 $0x100  }
0x25: {  	[spmem:s2] =	stream.indirect.scatter.add.f32 [tilespmem:s13], [sflag:$0x1], $0x80, s30, s14, $0xb8;
	[tilespmem:$0x1BFC0] =	vst v63  }
0x26: {  	s31 =	simm.s32 $0x180  }
0x27: {  	[spmem:s2] =	stream.indirect.scatter.add.f32 [tilespmem:s13], [sflag:$0x1], $0x80, s31, s14, $0xb8;
	[tilespmem:$0x1BFC0] =	vst v63  }
0x28: {  	_ =	swait.ge [sflag:s15], $0x4000  }
0x29: {  	[sflag:s15] =	ssyncset.done $0x0  }
0x2a: {  	[sflag:s15] =	ssyncadd.s32 $0xFFFFC000  }
0x2b: {  	_ =	swait.ge [sflag:s15], $0x4000  }
0x2c: {  	[sflag:s15] =	ssyncset.done $0x0  }
0x2d: {  	[sflag:s15] =	ssyncadd.s32 $0xFFFFC000  }
0x2e: {  	_ =	swait.ge [sflag:s15], $0x4000  }
0x2f: {  	[sflag:s15] =	ssyncset.done $0x0  }
0x30: {  	[sflag:s15] =	ssyncadd.s32 $0xFFFFC000  }
0x31: {  	_ =	swait.ge [sflag:s15], $0x4000  }
0x32: {  	s20 =	simm.s32 $0x1000;
	s19 =	simm.s32 $0x800;
	[sflag:s15] =	ssyncset.done $0x0  }
.LBB2_2:
0x33: {  	s21 =	sshra.s32 s19, $0x2  }
0x34: {  	[sflag:s15] =	ssyncadd.s32 $0xFFFFC000;
	s19 =	smov.u32 s20;
	s22 =	sadd.s32 $0x800, s20  }
0x35: {  	[spmem:s2] =	stream.indirect.scatter.add.f32 [tilespmem:s13], [sflag:$0x1], $0x80, s21, s14, $0xb8;
	[tilespmem:$0x1BFC0] =	vst v63  }
0x36: {  	p1 =	sne.s32 s20, $0x9800;
	s20 =	sadd.s32 $0x80, s21  }
0x37: {  	[spmem:s2] =	stream.indirect.scatter.add.f32 [tilespmem:s13], [sflag:$0x1], $0x80, s20, s14, $0xb8;
	[tilespmem:$0x1BFC0] =	vst v63  }
0x38: {  	s20 =	sadd.s32 $0x100, s21  }
0x39: {  	[spmem:s2] =	stream.indirect.scatter.add.f32 [tilespmem:s13], [sflag:$0x1], $0x80, s20, s14, $0xb8;
	[tilespmem:$0x1BFC0] =	vst v63  }
0x3a: {  	s20 =	sadd.s32 $0x180, s21  }
0x3b: {  	[spmem:s2] =	stream.indirect.scatter.add.f32 [tilespmem:s13], [sflag:$0x1], $0x80, s20, s14, $0xb8;
	[tilespmem:$0x1BFC0] =	vst v63  }
0x3c: {  	_ =	swait.ge [sflag:s15], $0x4000  }
0x3d: {  	[sflag:s15] =	ssyncset.done $0x0  }
0x3e: {  	[sflag:s15] =	ssyncadd.s32 $0xFFFFC000  }
0x3f: {  	_ =	swait.ge [sflag:s15], $0x4000  }
0x40: {  	[sflag:s15] =	ssyncset.done $0x0  }
0x41: {  	[sflag:s15] =	ssyncadd.s32 $0xFFFFC000  }
.Ltmp0:
0x42: {  	_ =	swait.ge [sflag:s15], $0x4000;
	(pc) =	sbr.rel @p1 .LBB2_2-.Ltmp0, $4  }
0x43: {  	[sflag:s15] =	ssyncset.done $0x0  }
0x44: {  	[sflag:s15] =	ssyncadd.s32 $0xFFFFC000  }
0x45: {  	_ =	swait.ge [sflag:s15], $0x4000  }
0x46: {  	s20 =	smov.u32 s22;
	[sflag:s15] =	ssyncset.done $0x0  }
0x47: {  	s19 =	sshra.s32 s19, $0x2;
	[sflag:s15] =	ssyncadd.s32 $0xFFFFC000  }
0x48: {  	[spmem:s2] =	stream.indirect.scatter.add.f32 [tilespmem:s13], [sflag:$0x1], $0x80, s19, s14, $0xb8;
	[tilespmem:$0x1BFC0] =	vst v63  }
0x49: {  	s20 =	sadd.s32 $0x80, s19  }
0x4a: {  	[spmem:s2] =	stream.indirect.scatter.add.f32 [tilespmem:s13], [sflag:$0x1], $0x80, s20, s14, $0xb8;
	[tilespmem:$0x1BFC0] =	vst v63  }
0x4b: {  	s31 =	sadd.s32 $0x100, s19  }
0x4c: {  	[spmem:s2] =	stream.indirect.scatter.add.f32 [tilespmem:s13], [sflag:$0x1], $0x80, s31, s14, $0xb8;
	[tilespmem:$0x1BFC0] =	vst v63  }
0x4d: {  	s19 =	sadd.s32 $0x180, s19  }
0x4e: {  	[spmem:s2] =	stream.indirect.scatter.add.f32 [tilespmem:s13], [sflag:$0x1], $0x80, s19, s14, $0xb8;
	[tilespmem:$0x1BFC0] =	vst v63  }
0x4f: {  	_ =	swait.ge [sflag:s15], $0x4000  }
0x50: {  	[sflag:s15] =	ssyncset.done $0x0  }
0x51: {  	[sflag:s15] =	ssyncadd.s32 $0xFFFFC000  }
0x52: {  	_ =	swait.ge [sflag:s15], $0x4000  }
0x53: {  	[sflag:s15] =	ssyncset.done $0x0  }
0x54: {  	[sflag:s15] =	ssyncadd.s32 $0xFFFFC000  }
0x55: {  	_ =	swait.ge [sflag:s15], $0x4000  }
0x56: {  	[sflag:s15] =	ssyncset.done $0x0  }
0x57: {  	[sflag:s15] =	ssyncadd.s32 $0xFFFFC000  }
0x58: {  	_ =	swait.ge [sflag:s15], $0x4000  }
0x59: {  	[sflag:s15] =	ssyncset.done $0x0  }
0x5a: {  	[sflag:s15] =	ssyncadd.s32 $0xFFFFC000  }
0x5b: {  	[bflag:$0x0] =	sbarrier.arrive $0xFFFF  }
0x5c: {  	[hbm:s16], [sflag:s6] =	dma.local [spmem:s10], $0x2A80  }
0x5d: {  	s18 =	sadd.s32 $0x1, s18;
	_ =	swait.ge [sflag:s11], $0x2A80  }
0x5e: {  	p1 =	sne.s32 s18, s9;
	[sflag:s11] =	ssyncset.done $0x0  }
.Ltmp1:
0x5f: {  	s19 =	simm.s32 @!p0 $0x2;
	[sflag:s11] =	ssyncadd.s32 $0xFFFFD580;
	(pc) =	sbr.rel @p1 .LBB2_1-.Ltmp1, $4  }
0x60: {  	[hbm:s17], [sflag:s6] =	dma.local @!p0 [spmem:s12], $0x780  }
0x61: {  	_ =	swait.ge @!p0 [sflag:s19], $0x780  }
0x62: {  	[sflag:s19] =	ssyncset.done @!p0 $0x0  }
0x63: {  	[sflag:s19] =	ssyncadd.s32 @!p0 $0xFFFFF880  }
0x64: {  	_ =	sfence.sel $0x180000  }
0x65: {  	[bflag:$0x0] =	sbarrier.arrive $0xFFFF  }
0x66: {  	p0 =	sne.s32 s0, $0x0;
	_ =	strace $0x90000047  }
0x67: {  	s0 =	sadd.s32 @!p0 $0x100000, s1;
	[bflag:$0x2] =	sbarrier.arrive $0xFFFF  }
0x68: {  	[sflag:s0] =	ssyncadd.tile.s32 @!p0 $0x1;
	_ =	shalt  }
.Lfunc_end2:
_tile_overlayer_lowered:
.L_overlay_start_2:
0x69: {  	(tag) =	ssettag $0x2  }
0x6a: {  	s0 =	rddreg [dreg:$0x0];
	s2 =	stileid.u32  }
0x6b: {  	s1 =	rddreg [dreg:$0x1];
	p0 =	sne.s32 s2, $0x0  }
0x6c: {  	s3 =	rddreg [dreg:$0x2];
	[bflag:$0x3] =	sbarrier.arrive $0xFFFF;
	s2 =	simm.s32 @!p0 $0x1C02  }
0x6d: {  	[timem:s3], [sflag:s2] =	dma.local @!p0 [hbm:s0], s1  }
0x6e: {  	s0 =	simm.s32 @!p0 $0x2  }
0x6f: {  	_ =	swait.ge @!p0 [sflag:s0], s1  }
0x70: {  	s1 =	ssub.s32 @!p0 $0x0, s1;
	[sflag:s0] =	ssyncset.done @!p0 $0x0  }
0x71: {  	[sflag:s0] =	ssyncadd.s32 @!p0 s1  }
0x72: {  	[bflag:$0x3] =	sbarrier.arrive $0xFFFF  }
0x73: {  	_ =	shalt  }

// kernel: kernel.9.cloned.1.call-start
scs
__scs_entry_jumppad:
0x0: {  	(pc) =	sbr.rel $0x88, $3  }
0x1: {  	(tag) =	ssettag $0x0;
	lr =	simm.s32 $0x1  }
0x2: {  	[smem:$0x3F9D] =	sst lr;
	_ =	strace $0xD0000000  }
0x3: {  	_ = 	snop  }
0x4: {  	_ = 	snop  }
0x5: {  	_ = 	snop  }
0x6: {  	_ = 	snop  }
0x7: {  	_ = 	snop  }
__scs_overlays_trampoline_lowered:
0x8: {  	[smem:$0x3FAC] =	sst s0  }
0x9: {  	[smem:$0x3FAD] =	sst s1  }
0xa: {  	[smem:$0x3FAE] =	sst s2  }
0xb: {  	[smem:$0x3FAF] =	sst s3  }
0xc: {  	[smem:$0x3FB0] =	sst s4  }
0xd: {  	[smem:$0x3FB1] =	sst s5  }
0xe: {  	[smem:$0x3FB2] =	sst s6  }
0xf: {  	[smem:$0x3FB3] =	sst s7  }
0x10: {  	[smem:$0x3FB4] =	sst s8  }
0x11: {  	[smem:$0x3FB5] =	sst s9;
	s0 =	simm.s32 @!p0 $0x0  }
0x12: {  	s1 =	sld [smem:$0x3F9B];
	s0 =	simm.s32 @p0 $0x1  }
0x13: {  	[smem:$0x3FB6] =	sst s0;
	s0 =	simm.s32 @!p1 $0x0  }
0x14: {  	s2 =	sld [smem:$0x3F9A];
	s0 =	simm.s32 @p1 $0x1  }
0x15: {  	[smem:$0x3FB7] =	sst s0;
	s0 =	simm.s32 @!p2 $0x0  }
0x16: {  	s3 =	sld [smem:$0x3FDB];
	s0 =	simm.s32 @p2 $0x1  }
0x17: {  	s4 =	simm.s32 $0x1BF5;
	[smem:$0x3FB9] =	sst s0  }
0x18: {  	s0 =	sld [smem:$0x3F9C];
	_ =	swait.ge [sflag:s4], $0x0  }
0x19: {  	s7 =	sld [smem:$0x3F9D]  }
0x1a: {  	s8 =	sadd.s32 $0xFFFFE003, lr  }
0x1b: {  	s9 =	sadd.s32 $0xFFFFFEF7, lr;
	s5 =	simm.s32 $0xFFFFFFFF;
	p2 =	slt.u32 s8, $0xFFFFF086  }
0x1c: {  	p1 =	slt.u32 s9, $0xF7A;
	s5 =	simm.s32 @!p2 $0x0  }
0x1d: {  	s5 =	simm.s32 @p1 $0x1;
	p0 =	seq.s32 s7, s2  }
0x1e: {  	s7 =	smul.u32 @!p0 $0xF7A, s2;
	p2 =	seq.s32 @!p0 s5, $0x0  }
0x1f: {  	s9 =	smul.u32 $0xF7A, s1;
	s8 =	simm.s32 @!p0 $0x1BF5;
	p2 =	por !p2, p0  }
0x20: {  	[sflag:s8] =	ssyncset.s32 @!p0 $0xFFFFF086;
	s6 =	sadd.s32 @!p0 s3, s7;
	s7 =	simm.s32 @!p0 $0x108  }
0x21: {  	s3 =	sadd.s32 s3, s9;
	s6 =	sadd.s32 @!p0 $0x88, s6;
	s7 =	simm.s32 @p2 $0x1082  }
0x22: {  	[simem:s7], [sflag:s8] =	dma.local @!p0 [hbm:s6], $0xF7A  }
0x23: {  	s9 =	sor.u32 $0xD0000000, s2;
	s6 =	simm.s32 $0x108;
	_ =	swait.ge @!p0 [sflag:s8], $0x0  }
0x24: {  	s3 =	sadd.s32 $0x88, s3;
	s6 =	simm.s32 @!p1 $0x1082;
	[sflag:s4] =	ssyncset.s32 $0xFFFFF086  }
0x25: {  	[simem:s6], [sflag:s4] =	dma.local [hbm:s3], $0xF7A  }
0x26: {  	[smem:$0x3F9D] =	sst s1;
	(tag) =	ssettag s2;
	_ =	strace s9  }
0x27: {  	s1 =	sld [smem:$0x3FAD]  }
0x28: {  	s2 =	sld [smem:$0x3FAE]  }
0x29: {  	s4 =	sld [smem:$0x3FB0]  }
0x2a: {  	p0 =	seq.s32 s5, $0x0;
	s5 =	sld [smem:$0x3FB1]  }
0x2b: {  	s6 =	sld [smem:$0x3FB2]  }
0x2c: {  	s7 =	sld [smem:$0x3FB3]  }
0x2d: {  	s3 =	simm.s32 $0x108;
	s8 =	sld [smem:$0x3FB4]  }
0x2e: {  	s3 =	simm.s32 @!p0 $0x1082;
	s9 =	sld [smem:$0x3FB5]  }
0x2f: {  	lr =	sadd.s32 s0, s3;
	s0 =	sld [smem:$0x3FAC]  }
0x30: {  	s3 =	sld [smem:$0x3FAF]  }
0x31: {  	[smem:$0x3FB8] =	sst s10  }
0x32: {  	s10 =	sld [smem:$0x3FB6];
	_ =	sdelay $0x3  }
0x33: {  	p0 =	seq.s32 s10, $0x1;
	s10 =	sld [smem:$0x3FB8];
	_ =	sdelay $0x3  }
0x34: {  	[smem:$0x3FB8] =	sst s10  }
0x35: {  	s10 =	sld [smem:$0x3FB7];
	_ =	sdelay $0x3  }
0x36: {  	p1 =	seq.s32 s10, $0x1;
	s10 =	sld [smem:$0x3FB8];
	_ =	sdelay $0x3  }
0x37: {  	[smem:$0x3FB8] =	sst s10  }
0x38: {  	s10 =	sld [smem:$0x3FB9]  }
0x39: {  	_ = 	snop;
	(pc) =	sbr.ind lr, $3  }
0x3a: {  	_ = 	snop  }
0x3b: {  	_ = 	snop  }
0x3c: {  	p2 =	seq.s32 s10, $0x1;
	s10 =	sld [smem:$0x3FB8]  }
0x3d: {  	_ =	shalt  }
0x3e: {  	_ =	shalt  }
0x3f: {  	_ =	shalt  }
0x40: {  	_ =	shalt  }
0x41: {  	_ =	shalt  }
0x42: {  	_ =	shalt  }
0x43: {  	_ =	shalt  }
0x44: {  	_ =	shalt  }
0x45: {  	_ =	shalt  }
0x46: {  	_ =	shalt  }
0x47: {  	_ =	shalt  }
0x48: {  	_ =	shalt  }
0x49: {  	_ =	shalt  }
0x4a: {  	_ =	shalt  }
0x4b: {  	_ =	shalt  }
0x4c: {  	_ =	shalt  }
0x4d: {  	_ =	shalt  }
0x4e: {  	_ =	shalt  }
0x4f: {  	_ =	shalt  }
0x50: {  	_ =	shalt  }
0x51: {  	_ =	shalt  }
0x52: {  	_ =	shalt  }
0x53: {  	_ =	shalt  }
0x54: {  	_ =	shalt  }
0x55: {  	_ =	shalt  }
0x56: {  	_ =	shalt  }
0x57: {  	_ =	shalt  }
0x58: {  	_ =	shalt  }
0x59: {  	_ =	shalt  }
0x5a: {  	_ =	shalt  }
0x5b: {  	_ =	shalt  }
0x5c: {  	_ =	shalt  }
0x5d: {  	_ =	shalt  }
0x5e: {  	_ =	shalt  }
0x5f: {  	_ =	shalt  }
0x60: {  	_ =	shalt  }
0x61: {  	_ =	shalt  }
0x62: {  	_ =	shalt  }
0x63: {  	_ =	shalt  }
0x64: {  	_ =	shalt  }
0x65: {  	_ =	shalt  }
0x66: {  	_ =	shalt  }
0x67: {  	_ =	shalt  }
0x68: {  	_ =	shalt  }
0x69: {  	_ =	shalt  }
0x6a: {  	_ =	shalt  }
0x6b: {  	_ =	shalt  }
0x6c: {  	_ =	shalt  }
0x6d: {  	_ =	shalt  }
0x6e: {  	_ =	shalt  }
0x6f: {  	_ =	shalt  }
0x70: {  	_ =	shalt  }
0x71: {  	_ =	shalt  }
0x72: {  	_ =	shalt  }
0x73: {  	_ =	shalt  }
0x74: {  	_ =	shalt  }
0x75: {  	_ =	shalt  }
0x76: {  	_ =	shalt  }
0x77: {  	_ =	shalt  }
0x78: {  	_ =	shalt  }
0x79: {  	_ =	shalt  }
0x7a: {  	_ =	shalt  }
0x7b: {  	_ =	shalt  }
0x7c: {  	_ =	shalt  }
0x7d: {  	_ =	shalt  }
0x7e: {  	_ =	shalt  }
0x7f: {  	_ =	shalt  }
0x80: {  	_ =	shalt  }
0x81: {  	_ =	shalt  }
0x82: {  	_ =	shalt  }
0x83: {  	_ =	shalt  }
0x84: {  	_ =	shalt  }
0x85: {  	_ =	shalt  }
0x86: {  	_ =	shalt  }
0x87: {  	_ =	shalt  }
.Lfunc_end0:
.L_simem_size_0:
called_computation.1_lowered:
.L_overlay_start_0:
0x88: {  	s2 =	sld [smem:$0x3FD9]  }
0x89: {  	s3 =	sld [smem:$0x3FFE];
	_ =	sdelay $0x1  }
0x8a: {  	s1 =	srdreg.scid  }
0x8b: {  	s0 =	sand.u32 $0x1, s1  }
0x8c: {  	s17 =	sshll.u32 s0, $0xA;
	s2 =	sadd.s32 s3, s2  }
0x8d: {  	s2 =	sadd.s32 s2, s17  }
0x8e: {  	[smem:$0x3FC4] =	sst s2  }
0x8f: {  	_ = 	snop  }
0x90: {  	s2 =	sld [smem:$0x3FD0];
	(tm) =	ssettm $0x1  }
0x91: {  	s18 =	sld [smem:$0x3FFB];
	_ =	sdelay $0x3  }
0x92: {  	_ =	strace s18  }
0x93: {  	s3 =	sld [smem:$0x3FFC];
	_ =	sdelay $0x3  }
0x94: {  	_ =	strace s3  }
0x95: {  	s3 =	sld [smem:$0x3FFD];
	_ =	sdelay $0x3  }
0x96: {  	_ =	strace s3  }
0x97: {  	_ =	strace $0x8FFFFFFF  }
0x98: {  	s19 =	sld [smem:$0x3FDB];
	_ =	sdelay $0x1  }
0x99: {  	s4 =	simm.s32 $_scs_section_size  }
0x9a: {  	s5 =	simm.s32 $_size__tile_overlayer_lowered;
	s6 =	simm.s32 $_tile_overlayer_lowered  }
0x9b: {  	s22 =	simm.s32 $0x1BFF;
	s21 =	sshll.u32 s6, $0x1;
	s3 =	sadd.s32 s4, s19  }
0x9c: {  	s7 =	simm.s32 $0x0;
	s20 =	sshll.u32 s5, $0x1;
	s5 =	sadd.s32 s21, s3  }
0x9d: {  	[timem:s7], [sflag:s22] =	dma.local [hbm:s5], s20  }
0x9e: {  	_ =	swait.ge [sflag:s22], s20  }
0x9f: {  	s4 =	ssub.s32 $0x0, s20;
	[sflag:s22] =	ssyncset.done $0x0  }
0xa0: {  	[sflag:s22] =	ssyncadd.s32 s4;
	_ =	sdelay $0x1  }
0xa1: {  	s23 =	simm.s32 $0x1B8B  }
0xa2: {  	_ =	swait.ge [sflag:s23], $0x1  }
0xa3: {  	[sflag:s23] =	ssyncset.done $0x0  }
0xa4: {  	s25 =	simm.s32 $0x1B8E;
	s24 =	sld [smem:$0x3FFE];
	[sflag:s23] =	ssyncadd.s32 $0xFFFFFFFF  }
0xa5: {  	s26 =	simm.s32 $execute0_lowered;
	[smem:$0x3FD2] =	sst s25  }
0xa6: {  	s5 =	sshll.u32 s26, $0x1;
	_ =	strace $0x80000049;
	[dreg:$0x1] =	wrdreg $0xFFFFFFFF  }
0xa7: {  	s28 =	simm.s32 $_size_execute0_lowered;
	s3 =	sadd.s32 s3, s5;
	[dreg:$0x0] =	wrdreg $0x0  }
0xa8: {  	s5 =	sshll.u32 s28, $0x1;
	[dreg:$0x2] =	wrdreg s3  }
0xa9: {  	[dreg:$0x3] =	wrdreg s5  }
0xaa: {  	[dreg:$0x4] =	wrdreg $0xC0  }
0xab: {  	_ =	task [dreg:s7], $0x5FFFF  }
0xac: {  	[dreg:$0x1] =	wrdreg $0xFFFFFFFF  }
0xad: {  	[dreg:$0x0] =	wrdreg $0x60  }
0xae: {  	[dreg:$0x2] =	wrdreg s24  }
0xaf: {  	[dreg:$0x3] =	wrdreg s2  }
0xb0: {  	[dreg:$0x4] =	wrdreg $0xA8000  }
0xb1: {  	[dreg:$0x5] =	wrdreg $0x9  }
0xb2: {  	_ =	task.clear_ibuf [dreg:s7], $0x6FFFF;
	_ =	strace $0x90000049  }
0xb3: {  	s29 =	simm.s32 $0x9;
	_ =	strace $0x8000004B  }
0xb4: {  	_ =	swait.ge [sflag:s29], $0x1  }
0xb5: {  	[sflag:s29] =	ssyncadd.s32 $0xFFFFFFFF  }
0xb6: {  	_ =	strace $0x9000004B  }
0xb7: {  	_ =	sfence  }
0xb8: {  	s30 =	sld [smem:$0x0];
	_ =	sdelay $0x2  }
0xb9: {  	s31 =	sshll.u32 s1, $0xD;
	s1 =	sshrl.u32 s1, $0x2  }
0xba: {  	s3 =	sand.u32 $0x4000, s31;
	s1 =	sadd.s32 s1, s30  }
0xbb: {  	s0 =	sor.u32 s3, s0;
	s1 =	sshll.u32 s1, $0x11  }
0xbc: {  	s0 =	sor.u32 s1, s0  }
0xbd: {  	s0 =	sadd.s32 $0x8F2B, s0  }
0xbe: {  	[sflag:s0] =	ssyncadd.remote.s32 $0x1  }
0xbf: {  	_ =	sfence.sel $0xFFFF  }
0xc0: {  	[dreg:$0x0] =	wrdreg $0xFFFFFFFF;
	(pc) =	sbr.abs _section_cstart, $3  }
0xc1: {  	[dreg:$0x1] =	wrdreg $0xFFFFFFFF  }
0xc2: {  	_ =	task.clear_ibuf [dreg:s7], $0x2FFFF;
	_ =	strace $0x9FFFFFFF  }
0xc3: {  	(tm) =	ssettm $0x7FFFFFFF  }
tec
execute0_lowered:
.L_overlay_start_1:
0x0: {  	(tag) =	ssettag $0x1  }
0x1: {  	s8 =	rddreg [dreg:$0x0]  }
0x2: {  	s1 =	srdreg.scid;
	s10 =	rddreg [dreg:$0x1]  }
0x3: {  	s0 =	stileid.u32;
	s2 =	rddreg [dreg:$0x2]  }
0x4: {  	s3 =	simm.s32 $0x0;
	s18 =	simm.s32 $0x2800;
	s19 =	simm.s32 $0x4800  }
0x5: {  	s20 =	simm.s32 $0x6800;
	s21 =	simm.s32 $0x8800;
	s22 =	simm.s32 $0x1  }
0x6: {  	s23 =	simm.s32 $0x2;
	s24 =	simm.s32 $0x0;
	s6 =	sand.u32 $0x1, s1  }
0x7: {  	s29 =	sshll.u32 s0, $0x1;
	s4 =	smul.u32 $0x2A80, s0;
	[smem:$0x7FF] =	sst s3  }
0x8: {  	s5 =	sadd.s32 $0x36400, s8;
	s9 =	smul.u32 $0x55000, s0;
	s31 =	sshll.u32 s0, $0x6  }
0x9: {  	s17 =	sadd.s32 $0x154000, s2;
	s1 =	sor.u32 s6, s29;
	s7 =	smul.u32 $0x2AF80, s6  }
0xa: {  	p0 =	sne.s32 s0, $0xF;
	s6 =	ssub.s32 $0x2, s6;
	s11 =	smul.u32 $0x500, s1  }
0xb: {  	s1 =	rddreg [dreg:$0x3];
	_ =	strace $0x8000004A;
	s13 =	sadd.s32 s4, s8  }
0xc: {  	s30 =	sshrl.u32 s6, $0x1;
	s9 =	sshrl.u32 s9, $0x2;
	s14 =	sadd.s32 s7, s8  }
0xd: {  	s15 =	ssub.s32 s6, s30;
	s16 =	sadd.s32 s9, s2;
	s6 =	sadd.s32 $0xB400, s13  }
0xe: {  	s7 =	sor.u32 $0x1C03, s31;
	s12 =	sadd.s32 s11, s8;
	s8 =	sadd.s32 $0x35C00, s8  }
0xf: {  	s10 =	sadd.s32 s10, s11;
	s11 =	sadd.s32 $0x61400, s14;
	s13 =	sshrl.u32 s16, $0x3  }
0x10: {  	s14 =	simm.s32 $0x3;
	s16 =	simm.s32 $0x1400;
	s9 =	sadd.s32 $0x1400, s12  }
0x11: {  	s12 =	smax.u32 s15, $0x1;
	s15 =	sshrl.u32 @!p0 s17, $0x3;
	s17 =	simm.s32 $0x40  }
.LBB2_1:
0x12: {  	[spmem:s13], [sflag:s7] =	dma.local [hbm:s6], $0x2A80  }
0x13: {  	_ =	swait.ge [sflag:s14], $0x2A80  }
0x14: {  	[sflag:s14] =	ssyncset.done $0x0  }
0x15: {  	s25 =	simm.s32 @!p0 $0x3;
	[sflag:s14] =	ssyncadd.s32 $0xFFFFD580  }
0x16: {  	[spmem:s15], [sflag:s7] =	dma.local @!p0 [hbm:s8], $0x780  }
0x17: {  	_ =	swait.ge @!p0 [sflag:s25], $0x780  }
0x18: {  	[sflag:s25] =	ssyncset.done @!p0 $0x0  }
0x19: {  	[sflag:s25] =	ssyncadd.s32 @!p0 $0xFFFFF880  }
0x1a: {  	[bflag:$0x0] =	sbarrier.arrive $0xFFFF  }
0x1b: {  	[tilespmem:s3], [sflag:$0x3] =	stream.linear.gather [hbm4b:s9+s3], $0x1400, $0x38;
	v63 =	vld [tilespmem:$0x0]  }
0x1c: {  	_ =	swait.ge [sflag:s14], $0x1400  }
0x1d: {  	[sflag:s14] =	ssyncset.done $0x0  }
0x1e: {  	[sflag:s14] =	ssyncadd.s32 $0xFFFFEC00  }
0x1f: {  	[tilespmem:s16], [sflag:$0x3] =	stream.linear.gather [hbm4b:s10+s3], $0x1400, $0x38;
	v63 =	vld [tilespmem:$0x0]  }
0x20: {  	_ =	swait.ge [sflag:s14], $0x1400  }
0x21: {  	[sflag:s14] =	ssyncset.done $0x0  }
0x22: {  	s26 =	simm.s32 $0x0;
	[sflag:s14] =	ssyncadd.s32 $0xFFFFEC00  }
0x23: {  	[tilespmem:s18], [sflag:$0x1] =	stream.indirect.gather [hbm4b:s5+s17], $0x80, s26, s17, $0xb8;
	v63 =	vld [tilespmem:$0x0]  }
0x24: {  	s29 =	simm.s32 $0x40  }
0x25: {  	[tilespmem:s19], [sflag:$0x1] =	stream.indirect.gather [hbm4b:s5+s17], $0x80, s29, s17, $0xb8;
	v63 =	vld [tilespmem:$0x0]  }
0x26: {  	s30 =	simm.s32 $0x80  }
0x27: {  	[tilespmem:s20], [sflag:$0x1] =	stream.indirect.gather [hbm4b:s5+s17], $0x80, s30, s17, $0xb8;
	v63 =	vld [tilespmem:$0x0]  }
0x28: {  	s31 =	simm.s32 $0xC0  }
0x29: {  	[tilespmem:s21], [sflag:$0x1] =	stream.indirect.gather [hbm4b:s5+s17], $0x80, s31, s17, $0xb8;
	v63 =	vld [tilespmem:$0x0]  }
0x2a: {  	_ =	swait.ge [sflag:s22], $0x2000  }
0x2b: {  	[sflag:s22] =	ssyncset.done $0x0  }
0x2c: {  	s26 =	simm.s32 $0x1400;
	[sflag:s22] =	ssyncadd.s32 $0xFFFFE000  }
0x2d: {  	[spmem:s2] =	stream.indirect.scatter.add.f32 [tilespmem:s18], [sflag:$0x2], $0x80, s26, s17, $0xb8;
	v63 =	vld [tilespmem:$0x0]  }
0x2e: {  	_ =	swait.ge [sflag:s22], $0x2000  }
0x2f: {  	[sflag:s22] =	ssyncset.done $0x0  }
0x30: {  	s29 =	simm.s32 $0x1440;
	[sflag:s22] =	ssyncadd.s32 $0xFFFFE000  }
0x31: {  	[spmem:s2] =	stream.indirect.scatter.add.f32 [tilespmem:s19], [sflag:$0x2], $0x80, s29, s17, $0xb8;
	v63 =	vld [tilespmem:$0x0]  }
0x32: {  	_ =	swait.ge [sflag:s22], $0x2000  }
0x33: {  	[sflag:s22] =	ssyncset.done $0x0  }
0x34: {  	s30 =	simm.s32 $0x1480;
	[sflag:s22] =	ssyncadd.s32 $0xFFFFE000  }
0x35: {  	[spmem:s2] =	stream.indirect.scatter.add.f32 [tilespmem:s20], [sflag:$0x2], $0x80, s30, s17, $0xb8;
	v63 =	vld [tilespmem:$0x0]  }
0x36: {  	_ =	swait.ge [sflag:s22], $0x2000  }
0x37: {  	[sflag:s22] =	ssyncset.done $0x0  }
0x38: {  	s31 =	simm.s32 $0x14C0;
	[sflag:s22] =	ssyncadd.s32 $0xFFFFE000  }
0x39: {  	[spmem:s2] =	stream.indirect.scatter.add.f32 [tilespmem:s21], [sflag:$0x2], $0x80, s31, s17, $0xb8;
	v63 =	vld [tilespmem:$0x0]  }
0x3a: {  	_ =	swait.ge [sflag:s23], $0x2000  }
0x3b: {  	[sflag:s23] =	ssyncset.done $0x0  }
0x3c: {  	[sflag:s23] =	ssyncadd.s32 $0xFFFFE000  }
0x3d: {  	_ =	swait.ge [sflag:s23], $0x2000  }
0x3e: {  	[sflag:s23] =	ssyncset.done $0x0  }
0x3f: {  	[sflag:s23] =	ssyncadd.s32 $0xFFFFE000  }
0x40: {  	_ =	swait.ge [sflag:s23], $0x2000  }
0x41: {  	[sflag:s23] =	ssyncset.done $0x0  }
0x42: {  	[sflag:s23] =	ssyncadd.s32 $0xFFFFE000  }
0x43: {  	_ =	swait.ge [sflag:s23], $0x2000  }
0x44: {  	s28 =	simm.s32 $0x800;
	s25 =	simm.s32 $0x400;
	[sflag:s23] =	ssyncset.done $0x0  }
.LBB2_2:
0x45: {  	s29 =	sshra.s32 s25, $0x2  }
0x46: {  	[sflag:s23] =	ssyncadd.s32 $0xFFFFE000;
	s25 =	smov.u32 s28;
	s26 =	sadd.s32 $0x400, s28  }
0x47: {  	[tilespmem:s18], [sflag:$0x1] =	stream.indirect.gather [hbm4b:s5+s17], $0x80, s29, s17, $0xb8;
	v63 =	vld [tilespmem:$0x0]  }
0x48: {  	p1 =	sne.s32 s28, $0x4C00;
	s28 =	sadd.s32 $0x40, s29  }
0x49: {  	[tilespmem:s19], [sflag:$0x1] =	stream.indirect.gather [hbm4b:s5+s17], $0x80, s28, s17, $0xb8;
	v63 =	vld [tilespmem:$0x0]  }
0x4a: {  	s28 =	sadd.s32 $0x80, s29  }
0x4b: {  	[tilespmem:s20], [sflag:$0x1] =	stream.indirect.gather [hbm4b:s5+s17], $0x80, s28, s17, $0xb8;
	v63 =	vld [tilespmem:$0x0]  }
0x4c: {  	s28 =	sadd.s32 $0xC0, s29  }
0x4d: {  	[tilespmem:s21], [sflag:$0x1] =	stream.indirect.gather [hbm4b:s5+s17], $0x80, s28, s17, $0xb8;
	v63 =	vld [tilespmem:$0x0]  }
0x4e: {  	_ =	swait.ge [sflag:s22], $0x2000  }
0x4f: {  	[sflag:s22] =	ssyncset.done $0x0  }
0x50: {  	s28 =	sadd.s32 $0x1400, s29;
	[sflag:s22] =	ssyncadd.s32 $0xFFFFE000  }
0x51: {  	[spmem:s2] =	stream.indirect.scatter.add.f32 [tilespmem:s18], [sflag:$0x2], $0x80, s28, s17, $0xb8;
	v63 =	vld [tilespmem:$0x0]  }
0x52: {  	_ =	swait.ge [sflag:s22], $0x2000  }
0x53: {  	[sflag:s22] =	ssyncset.done $0x0  }
0x54: {  	s28 =	sadd.s32 $0x1440, s29;
	[sflag:s22] =	ssyncadd.s32 $0xFFFFE000  }
0x55: {  	[spmem:s2] =	stream.indirect.scatter.add.f32 [tilespmem:s19], [sflag:$0x2], $0x80, s28, s17, $0xb8;
	v63 =	vld [tilespmem:$0x0]  }
0x56: {  	_ =	swait.ge [sflag:s22], $0x2000  }
0x57: {  	[sflag:s22] =	ssyncset.done $0x0  }
0x58: {  	s28 =	sadd.s32 $0x1480, s29;
	[sflag:s22] =	ssyncadd.s32 $0xFFFFE000  }
0x59: {  	[spmem:s2] =	stream.indirect.scatter.add.f32 [tilespmem:s20], [sflag:$0x2], $0x80, s28, s17, $0xb8;
	v63 =	vld [tilespmem:$0x0]  }
0x5a: {  	_ =	swait.ge [sflag:s22], $0x2000  }
0x5b: {  	[sflag:s22] =	ssyncset.done $0x0  }
0x5c: {  	s28 =	sadd.s32 $0x14C0, s29;
	[sflag:s22] =	ssyncadd.s32 $0xFFFFE000  }
0x5d: {  	[spmem:s2] =	stream.indirect.scatter.add.f32 [tilespmem:s21], [sflag:$0x2], $0x80, s28, s17, $0xb8;
	v63 =	vld [tilespmem:$0x0]  }
0x5e: {  	_ =	swait.ge [sflag:s23], $0x2000  }
0x5f: {  	[sflag:s23] =	ssyncset.done $0x0  }
0x60: {  	[sflag:s23] =	ssyncadd.s32 $0xFFFFE000  }
0x61: {  	_ =	swait.ge [sflag:s23], $0x2000  }
0x62: {  	[sflag:s23] =	ssyncset.done $0x0  }
0x63: {  	[sflag:s23] =	ssyncadd.s32 $0xFFFFE000  }
.Ltmp0:
0x64: {  	_ =	swait.ge [sflag:s23], $0x2000;
	(pc) =	sbr.rel @p1 .LBB2_2-.Ltmp0, $4  }
0x65: {  	[sflag:s23] =	ssyncset.done $0x0  }
0x66: {  	[sflag:s23] =	ssyncadd.s32 $0xFFFFE000  }
0x67: {  	_ =	swait.ge [sflag:s23], $0x2000  }
0x68: {  	s28 =	smov.u32 s26;
	[sflag:s23] =	ssyncset.done $0x0  }
0x69: {  	s25 =	sshra.s32 s25, $0x2;
	[sflag:s23] =	ssyncadd.s32 $0xFFFFE000  }
0x6a: {  	[tilespmem:s18], [sflag:$0x1] =	stream.indirect.gather [hbm4b:s5+s17], $0x80, s25, s17, $0xb8;
	v63 =	vld [tilespmem:$0x0]  }
0x6b: {  	s26 =	sadd.s32 $0x40, s25  }
0x6c: {  	[tilespmem:s19], [sflag:$0x1] =	stream.indirect.gather [hbm4b:s5+s17], $0x80, s26, s17, $0xb8;
	v63 =	vld [tilespmem:$0x0]  }
0x6d: {  	s30 =	sadd.s32 $0x80, s25  }
0x6e: {  	[tilespmem:s20], [sflag:$0x1] =	stream.indirect.gather [hbm4b:s5+s17], $0x80, s30, s17, $0xb8;
	v63 =	vld [tilespmem:$0x0]  }
0x6f: {  	s31 =	sadd.s32 $0xC0, s25  }
0x70: {  	[tilespmem:s21], [sflag:$0x1] =	stream.indirect.gather [hbm4b:s5+s17], $0x80, s31, s17, $0xb8;
	v63 =	vld [tilespmem:$0x0]  }
0x71: {  	_ =	swait.ge [sflag:s22], $0x2000  }
0x72: {  	[sflag:s22] =	ssyncset.done $0x0  }
0x73: {  	s29 =	sadd.s32 $0x1400, s25;
	[sflag:s22] =	ssyncadd.s32 $0xFFFFE000  }
0x74: {  	[spmem:s2] =	stream.indirect.scatter.add.f32 [tilespmem:s18], [sflag:$0x2], $0x80, s29, s17, $0xb8;
	v63 =	vld [tilespmem:$0x0]  }
0x75: {  	_ =	swait.ge [sflag:s22], $0x2000  }
0x76: {  	[sflag:s22] =	ssyncset.done $0x0  }
0x77: {  	s30 =	sadd.s32 $0x1440, s25;
	[sflag:s22] =	ssyncadd.s32 $0xFFFFE000  }
0x78: {  	[spmem:s2] =	stream.indirect.scatter.add.f32 [tilespmem:s19], [sflag:$0x2], $0x80, s30, s17, $0xb8;
	v63 =	vld [tilespmem:$0x0]  }
0x79: {  	_ =	swait.ge [sflag:s22], $0x2000  }
0x7a: {  	[sflag:s22] =	ssyncset.done $0x0  }
0x7b: {  	s31 =	sadd.s32 $0x1480, s25;
	[sflag:s22] =	ssyncadd.s32 $0xFFFFE000  }
0x7c: {  	[spmem:s2] =	stream.indirect.scatter.add.f32 [tilespmem:s20], [sflag:$0x2], $0x80, s31, s17, $0xb8;
	v63 =	vld [tilespmem:$0x0]  }
0x7d: {  	_ =	swait.ge [sflag:s22], $0x2000  }
0x7e: {  	[sflag:s22] =	ssyncset.done $0x0  }
0x7f: {  	s25 =	sadd.s32 $0x14C0, s25;
	[sflag:s22] =	ssyncadd.s32 $0xFFFFE000  }
0x80: {  	[spmem:s2] =	stream.indirect.scatter.add.f32 [tilespmem:s21], [sflag:$0x2], $0x80, s25, s17, $0xb8;
	v63 =	vld [tilespmem:$0x0]  }
0x81: {  	_ =	swait.ge [sflag:s23], $0x2000  }
0x82: {  	[sflag:s23] =	ssyncset.done $0x0  }
0x83: {  	[sflag:s23] =	ssyncadd.s32 $0xFFFFE000  }
0x84: {  	_ =	swait.ge [sflag:s23], $0x2000  }
0x85: {  	[sflag:s23] =	ssyncset.done $0x0  }
0x86: {  	[sflag:s23] =	ssyncadd.s32 $0xFFFFE000  }
0x87: {  	_ =	swait.ge [sflag:s23], $0x2000  }
0x88: {  	[sflag:s23] =	ssyncset.done $0x0  }
0x89: {  	[sflag:s23] =	ssyncadd.s32 $0xFFFFE000  }
0x8a: {  	_ =	swait.ge [sflag:s23], $0x2000  }
0x8b: {  	[sflag:s23] =	ssyncset.done $0x0  }
0x8c: {  	s29 =	sadd.s32 $0x280, s9;
	s30 =	simm.s32 $0x0;
	[sflag:s23] =	ssyncadd.s32 $0xFFFFE000  }
0x8d: {  	[tilespmem:s30], [sflag:$0x3] =	stream.linear.gather [hbm4b:s29+s30], $0x1400, $0x38;
	v63 =	vld [tilespmem:$0x0]  }
0x8e: {  	_ =	swait.ge [sflag:s14], $0x1400  }
0x8f: {  	[sflag:s14] =	ssyncset.done $0x0  }
0x90: {  	s31 =	sadd.s32 $0x280, s10;
	[sflag:s14] =	ssyncadd.s32 $0xFFFFEC00  }
0x91: {  	[tilespmem:s16], [sflag:$0x3] =	stream.linear.gather [hbm4b:s31+s30], $0x1400, $0x38;
	v63 =	vld [tilespmem:$0x0]  }
0x92: {  	_ =	swait.ge [sflag:s14], $0x1400  }
0x93: {  	[sflag:s14] =	ssyncset.done $0x0  }
0x94: {  	s26 =	simm.s32 $0x0;
	[sflag:s14] =	ssyncadd.s32 $0xFFFFEC00  }
0x95: {  	[tilespmem:s18], [sflag:$0x1] =	stream.indirect.gather [hbm4b:s5+s17], $0x80, s26, s17, $0xb8;
	v63 =	vld [tilespmem:$0x0]  }
0x96: {  	s29 =	simm.s32 $0x40  }
0x97: {  	[tilespmem:s19], [sflag:$0x1] =	stream.indirect.gather [hbm4b:s5+s17], $0x80, s29, s17, $0xb8;
	v63 =	vld [tilespmem:$0x0]  }
0x98: {  	s30 =	simm.s32 $0x80  }
0x99: {  	[tilespmem:s20], [sflag:$0x1] =	stream.indirect.gather [hbm4b:s5+s17], $0x80, s30, s17, $0xb8;
	v63 =	vld [tilespmem:$0x0]  }
0x9a: {  	s31 =	simm.s32 $0xC0  }
0x9b: {  	[tilespmem:s21], [sflag:$0x1] =	stream.indirect.gather [hbm4b:s5+s17], $0x80, s31, s17, $0xb8;
	v63 =	vld [tilespmem:$0x0]  }
0x9c: {  	_ =	swait.ge [sflag:s22], $0x2000  }
0x9d: {  	[sflag:s22] =	ssyncset.done $0x0  }
0x9e: {  	s26 =	simm.s32 $0x1400;
	[sflag:s22] =	ssyncadd.s32 $0xFFFFE000  }
0x9f: {  	[spmem:s2] =	stream.indirect.scatter.add.f32 [tilespmem:s18], [sflag:$0x2], $0x80, s26, s17, $0xb8;
	v63 =	vld [tilespmem:$0x0]  }
0xa0: {  	_ =	swait.ge [sflag:s22], $0x2000  }
0xa1: {  	[sflag:s22] =	ssyncset.done $0x0  }
0xa2: {  	s29 =	simm.s32 $0x1440;
	[sflag:s22] =	ssyncadd.s32 $0xFFFFE000  }
0xa3: {  	[spmem:s2] =	stream.indirect.scatter.add.f32 [tilespmem:s19], [sflag:$0x2], $0x80, s29, s17, $0xb8;
	v63 =	vld [tilespmem:$0x0]  }
0xa4: {  	_ =	swait.ge [sflag:s22], $0x2000  }
0xa5: {  	[sflag:s22] =	ssyncset.done $0x0  }
0xa6: {  	s30 =	simm.s32 $0x1480;
	[sflag:s22] =	ssyncadd.s32 $0xFFFFE000  }
0xa7: {  	[spmem:s2] =	stream.indirect.scatter.add.f32 [tilespmem:s20], [sflag:$0x2], $0x80, s30, s17, $0xb8;
	v63 =	vld [tilespmem:$0x0]  }
0xa8: {  	_ =	swait.ge [sflag:s22], $0x2000  }
0xa9: {  	[sflag:s22] =	ssyncset.done $0x0  }
0xaa: {  	s31 =	simm.s32 $0x14C0;
	[sflag:s22] =	ssyncadd.s32 $0xFFFFE000  }
0xab: {  	[spmem:s2] =	stream.indirect.scatter.add.f32 [tilespmem:s21], [sflag:$0x2], $0x80, s31, s17, $0xb8;
	v63 =	vld [tilespmem:$0x0]  }
0xac: {  	_ =	swait.ge [sflag:s23], $0x2000  }
0xad: {  	[sflag:s23] =	ssyncset.done $0x0  }
0xae: {  	[sflag:s23] =	ssyncadd.s32 $0xFFFFE000  }
0xaf: {  	_ =	swait.ge [sflag:s23], $0x2000  }
0xb0: {  	[sflag:s23] =	ssyncset.done $0x0  }
0xb1: {  	[sflag:s23] =	ssyncadd.s32 $0xFFFFE000  }
0xb2: {  	_ =	swait.ge [sflag:s23], $0x2000  }
0xb3: {  	[sflag:s23] =	ssyncset.done $0x0  }
0xb4: {  	[sflag:s23] =	ssyncadd.s32 $0xFFFFE000  }
0xb5: {  	_ =	swait.ge [sflag:s23], $0x2000  }
0xb6: {  	s28 =	simm.s32 $0x800;
	s25 =	simm.s32 $0x400;
	[sflag:s23] =	ssyncset.done $0x0  }
.LBB2_4:
0xb7: {  	s29 =	sshra.s32 s25, $0x2  }
0xb8: {  	[sflag:s23] =	ssyncadd.s32 $0xFFFFE000;
	s25 =	smov.u32 s28;
	s26 =	sadd.s32 $0x400, s28  }
0xb9: {  	[tilespmem:s18], [sflag:$0x1] =	stream.indirect.gather [hbm4b:s5+s17], $0x80, s29, s17, $0xb8;
	v63 =	vld [tilespmem:$0x0]  }
0xba: {  	p1 =	sne.s32 s28, $0x4C00;
	s28 =	sadd.s32 $0x40, s29  }
0xbb: {  	[tilespmem:s19], [sflag:$0x1] =	stream.indirect.gather [hbm4b:s5+s17], $0x80, s28, s17, $0xb8;
	v63 =	vld [tilespmem:$0x0]  }
0xbc: {  	s28 =	sadd.s32 $0x80, s29  }
0xbd: {  	[tilespmem:s20], [sflag:$0x1] =	stream.indirect.gather [hbm4b:s5+s17], $0x80, s28, s17, $0xb8;
	v63 =	vld [tilespmem:$0x0]  }
0xbe: {  	s28 =	sadd.s32 $0xC0, s29  }
0xbf: {  	[tilespmem:s21], [sflag:$0x1] =	stream.indirect.gather [hbm4b:s5+s17], $0x80, s28, s17, $0xb8;
	v63 =	vld [tilespmem:$0x0]  }
0xc0: {  	_ =	swait.ge [sflag:s22], $0x2000  }
0xc1: {  	[sflag:s22] =	ssyncset.done $0x0  }
0xc2: {  	s28 =	sadd.s32 $0x1400, s29;
	[sflag:s22] =	ssyncadd.s32 $0xFFFFE000  }
0xc3: {  	[spmem:s2] =	stream.indirect.scatter.add.f32 [tilespmem:s18], [sflag:$0x2], $0x80, s28, s17, $0xb8;
	v63 =	vld [tilespmem:$0x0]  }
0xc4: {  	_ =	swait.ge [sflag:s22], $0x2000  }
0xc5: {  	[sflag:s22] =	ssyncset.done $0x0  }
0xc6: {  	s28 =	sadd.s32 $0x1440, s29;
	[sflag:s22] =	ssyncadd.s32 $0xFFFFE000  }
0xc7: {  	[spmem:s2] =	stream.indirect.scatter.add.f32 [tilespmem:s19], [sflag:$0x2], $0x80, s28, s17, $0xb8;
	v63 =	vld [tilespmem:$0x0]  }
0xc8: {  	_ =	swait.ge [sflag:s22], $0x2000  }
0xc9: {  	[sflag:s22] =	ssyncset.done $0x0  }
0xca: {  	s28 =	sadd.s32 $0x1480, s29;
	[sflag:s22] =	ssyncadd.s32 $0xFFFFE000  }
0xcb: {  	[spmem:s2] =	stream.indirect.scatter.add.f32 [tilespmem:s20], [sflag:$0x2], $0x80, s28, s17, $0xb8;
	v63 =	vld [tilespmem:$0x0]  }
0xcc: {  	_ =	swait.ge [sflag:s22], $0x2000  }
0xcd: {  	[sflag:s22] =	ssyncset.done $0x0  }
0xce: {  	s28 =	sadd.s32 $0x14C0, s29;
	[sflag:s22] =	ssyncadd.s32 $0xFFFFE000  }
0xcf: {  	[spmem:s2] =	stream.indirect.scatter.add.f32 [tilespmem:s21], [sflag:$0x2], $0x80, s28, s17, $0xb8;
	v63 =	vld [tilespmem:$0x0]  }
0xd0: {  	_ =	swait.ge [sflag:s23], $0x2000  }
0xd1: {  	[sflag:s23] =	ssyncset.done $0x0  }
0xd2: {  	[sflag:s23] =	ssyncadd.s32 $0xFFFFE000  }
0xd3: {  	_ =	swait.ge [sflag:s23], $0x2000  }
0xd4: {  	[sflag:s23] =	ssyncset.done $0x0  }
0xd5: {  	[sflag:s23] =	ssyncadd.s32 $0xFFFFE000  }
.Ltmp1:
0xd6: {  	_ =	swait.ge [sflag:s23], $0x2000;
	(pc) =	sbr.rel @p1 .LBB2_4-.Ltmp1, $4  }
0xd7: {  	[sflag:s23] =	ssyncset.done $0x0  }
0xd8: {  	[sflag:s23] =	ssyncadd.s32 $0xFFFFE000  }
0xd9: {  	_ =	swait.ge [sflag:s23], $0x2000  }
0xda: {  	s28 =	smov.u32 s26;
	[sflag:s23] =	ssyncset.done $0x0  }
0xdb: {  	s25 =	sshra.s32 s25, $0x2;
	[sflag:s23] =	ssyncadd.s32 $0xFFFFE000  }
0xdc: {  	[tilespmem:s18], [sflag:$0x1] =	stream.indirect.gather [hbm4b:s5+s17], $0x80, s25, s17, $0xb8;
	v63 =	vld [tilespmem:$0x0]  }
0xdd: {  	s26 =	sadd.s32 $0x40, s25  }
0xde: {  	[tilespmem:s19], [sflag:$0x1] =	stream.indirect.gather [hbm4b:s5+s17], $0x80, s26, s17, $0xb8;
	v63 =	vld [tilespmem:$0x0]  }
0xdf: {  	s30 =	sadd.s32 $0x80, s25  }
0xe0: {  	[tilespmem:s20], [sflag:$0x1] =	stream.indirect.gather [hbm4b:s5+s17], $0x80, s30, s17, $0xb8;
	v63 =	vld [tilespmem:$0x0]  }
0xe1: {  	s31 =	sadd.s32 $0xC0, s25  }
0xe2: {  	[tilespmem:s21], [sflag:$0x1] =	stream.indirect.gather [hbm4b:s5+s17], $0x80, s31, s17, $0xb8;
	v63 =	vld [tilespmem:$0x0]  }
0xe3: {  	_ =	swait.ge [sflag:s22], $0x2000  }
0xe4: {  	[sflag:s22] =	ssyncset.done $0x0  }
0xe5: {  	s28 =	sadd.s32 $0x1400, s25;
	[sflag:s22] =	ssyncadd.s32 $0xFFFFE000  }
0xe6: {  	[spmem:s2] =	stream.indirect.scatter.add.f32 [tilespmem:s18], [sflag:$0x2], $0x80, s28, s17, $0xb8;
	v63 =	vld [tilespmem:$0x0]  }
0xe7: {  	_ =	swait.ge [sflag:s22], $0x2000  }
0xe8: {  	[sflag:s22] =	ssyncset.done $0x0  }
0xe9: {  	s29 =	sadd.s32 $0x1440, s25;
	[sflag:s22] =	ssyncadd.s32 $0xFFFFE000  }
0xea: {  	[spmem:s2] =	stream.indirect.scatter.add.f32 [tilespmem:s19], [sflag:$0x2], $0x80, s29, s17, $0xb8;
	v63 =	vld [tilespmem:$0x0]  }
0xeb: {  	_ =	swait.ge [sflag:s22], $0x2000  }
0xec: {  	[sflag:s22] =	ssyncset.done $0x0  }
0xed: {  	s30 =	sadd.s32 $0x1480, s25;
	[sflag:s22] =	ssyncadd.s32 $0xFFFFE000  }
0xee: {  	[spmem:s2] =	stream.indirect.scatter.add.f32 [tilespmem:s20], [sflag:$0x2], $0x80, s30, s17, $0xb8;
	v63 =	vld [tilespmem:$0x0]  }
0xef: {  	_ =	swait.ge [sflag:s22], $0x2000  }
0xf0: {  	[sflag:s22] =	ssyncset.done $0x0  }
0xf1: {  	s25 =	sadd.s32 $0x14C0, s25;
	[sflag:s22] =	ssyncadd.s32 $0xFFFFE000  }
0xf2: {  	[spmem:s2] =	stream.indirect.scatter.add.f32 [tilespmem:s21], [sflag:$0x2], $0x80, s25, s17, $0xb8;
	v63 =	vld [tilespmem:$0x0]  }
0xf3: {  	_ =	swait.ge [sflag:s23], $0x2000  }
0xf4: {  	[sflag:s23] =	ssyncset.done $0x0  }
0xf5: {  	[sflag:s23] =	ssyncadd.s32 $0xFFFFE000  }
0xf6: {  	_ =	swait.ge [sflag:s23], $0x2000  }
0xf7: {  	[sflag:s23] =	ssyncset.done $0x0  }
0xf8: {  	[sflag:s23] =	ssyncadd.s32 $0xFFFFE000  }
0xf9: {  	_ =	swait.ge [sflag:s23], $0x2000  }
0xfa: {  	[sflag:s23] =	ssyncset.done $0x0  }
0xfb: {  	[sflag:s23] =	ssyncadd.s32 $0xFFFFE000  }
0xfc: {  	_ =	swait.ge [sflag:s23], $0x2000  }
0xfd: {  	[sflag:s23] =	ssyncset.done $0x0  }
0xfe: {  	[sflag:s23] =	ssyncadd.s32 $0xFFFFE000  }
0xff: {  	s31 =	sadd.s32 s4, s11;
	[bflag:$0x0] =	sbarrier.arrive $0xFFFF  }
0x100: {  	[hbm:s31], [sflag:s7] =	dma.local [spmem:s13], $0x2A80  }
0x101: {  	_ =	swait.ge [sflag:s14], $0x2A80  }
0x102: {  	s24 =	sadd.s32 $0x1, s24;
	[sflag:s14] =	ssyncset.done $0x0  }
0x103: {  	p1 =	sne.s32 s24, s12;
	s25 =	sadd.s32 @!p0 $0x2A800, s11;
	[sflag:s14] =	ssyncadd.s32 $0xFFFFD580  }
0x104: {  	[hbm:s25], [sflag:s7] =	dma.local @!p0 [spmem:s15], $0x780  }
.Ltmp2:
0x105: {  	_ = 	snop;
	(pc) =	sbr.rel @p1 .LBB2_1-.Ltmp2, $4  }
0x106: {  	s25 =	simm.s32 @!p0 $0x3  }
0x107: {  	_ =	swait.ge @!p0 [sflag:s25], $0x780  }
0x108: {  	[sflag:s25] =	ssyncset.done @!p0 $0x0  }
0x109: {  	[sflag:s25] =	ssyncadd.s32 @!p0 $0xFFFFF880  }
0x10a: {  	_ =	sfence.sel $0x180000  }
0x10b: {  	[bflag:$0x0] =	sbarrier.arrive $0xFFFF  }
0x10c: {  	p0 =	sne.s32 s0, $0x0;
	_ =	strace $0x9000004A  }
0x10d: {  	s0 =	sadd.s32 @!p0 $0x100000, s1;
	[bflag:$0x2] =	sbarrier.arrive $0xFFFF  }
0x10e: {  	[sflag:s0] =	ssyncadd.tile.s32 @!p0 $0x1;
	_ =	shalt  }
.Lfunc_end2:
_tile_overlayer_lowered:
.L_overlay_start_2:
0x10f: {  	(tag) =	ssettag $0x2  }
0x110: {  	s0 =	rddreg [dreg:$0x0];
	s2 =	stileid.u32  }
0x111: {  	s1 =	rddreg [dreg:$0x1];
	p0 =	sne.s32 s2, $0x0  }
0x112: {  	s3 =	rddreg [dreg:$0x2];
	[bflag:$0x3] =	sbarrier.arrive $0xFFFF;
	s2 =	simm.s32 @!p0 $0x1C03  }
0x113: {  	[timem:s3], [sflag:s2] =	dma.local @!p0 [hbm:s0], s1  }
0x114: {  	s0 =	simm.s32 @!p0 $0x3  }
0x115: {  	_ =	swait.ge @!p0 [sflag:s0], s1  }
0x116: {  	s1 =	ssub.s32 @!p0 $0x0, s1;
	[sflag:s0] =	ssyncset.done @!p0 $0x0  }
0x117: {  	[sflag:s0] =	ssyncadd.s32 @!p0 s1  }
0x118: {  	[bflag:$0x3] =	sbarrier.arrive $0xFFFF  }
0x119: {  	_ =	shalt  }

</sc_bundles>
